<compile_context>
chip_gen: v7x
topology: tpu7x:2x2x1
jax: 0.10.2.dev20260603
libtpu: 0.0.44.dev20260713+nightly
codegen_flags: <defaults>
</compile_context>

<pallas_src>
import jax
import jax.numpy as jnp
from jax import lax
from jax.experimental import pallas as pl
from jax.experimental.pallas import tpu as pltpu
from jax.experimental.pallas import tpu_sc as plsc

_JITTER_EPS = 0.1
_TOK_BLK = 512

_SC_CORES = 2
_SC_SUBCORES = 16
_SC_LANES = 16
_SC_WORKERS = _SC_CORES * _SC_SUBCORES


def _tc_body(lg_ref, om_ref, mult_ref):
    lg = lg_ref[...]
    mx = jnp.max(lg, axis=0, keepdims=True)
    factor = jnp.maximum(jnp.abs(lg), mx)
    mask = (mx - lg) / factor > 2.0 * _JITTER_EPS
    e = jnp.where(mask, 0.0, jnp.exp(lg - mx))
    m = 1.0 / jnp.sum(e, axis=0, keepdims=True)
    mult_ref[...] = m.reshape(-1, 1) * om_ref[...][None, :]


def _tc_multiplier(logits_t, omega):
    n_exp, n_tok = logits_t.shape
    dim = omega.shape[0]
    return pl.pallas_call(
        _tc_body,
        grid=(n_tok // _TOK_BLK,),
        in_specs=[
            pl.BlockSpec((n_exp, _TOK_BLK), lambda i: (0, i)),
            pl.BlockSpec((dim,), lambda i: (0,)),
        ],
        out_specs=pl.BlockSpec((_TOK_BLK, dim), lambda i: (i, 0)),
        out_shape=jax.ShapeDtypeStruct((n_tok, dim), jnp.float32),
        compiler_params=pltpu.CompilerParams(vmem_limit_bytes=40 * 1024 * 1024),
    )(logits_t, omega)


def _sc_sample(logits_t):
    n_exp, n_tok = logits_t.shape
    tpw = n_tok // _SC_WORKERS
    n_grp = tpw // _SC_LANES

    def body(lg_hbm, out_hbm, lg_v, samp_v):
        wid = lax.axis_index("s") * _SC_CORES + lax.axis_index("c")
        base = wid * tpw
        pltpu.sync_copy(lg_hbm.at[:, pl.ds(base, tpw)], lg_v)

        def group(g, carry):
            off = g * _SC_LANES
            best_v = lg_v[0, pl.ds(off, _SC_LANES)]
            best_i = jnp.zeros((_SC_LANES,), jnp.int32)
            for j in range(1, n_exp):
                v = lg_v[j, pl.ds(off, _SC_LANES)]
                upd = v > best_v
                best_v = jnp.where(upd, v, best_v)
                best_i = jnp.where(upd, jnp.full((_SC_LANES,), j, jnp.int32), best_i)
            samp_v[pl.ds(off, _SC_LANES)] = best_i
            return carry

        lax.fori_loop(0, n_grp, group, 0)
        pltpu.sync_copy(samp_v, out_hbm.at[pl.ds(base, tpw)])

    return pl.kernel(
        body,
        mesh=plsc.VectorSubcoreMesh(core_axis_name="c", subcore_axis_name="s"),
        compiler_params=pltpu.CompilerParams(
            needs_layout_passes=False,
            vmem_limit_bytes=8 * 1024 * 1024,
            skip_device_barrier=True,
        ),
        out_type=jax.ShapeDtypeStruct((n_tok,), jnp.int32),
        scratch_types=[
            pltpu.VMEM((n_exp, tpw), jnp.float32),
            pltpu.VMEM((tpw,), jnp.int32),
        ],
    )(logits_t)


def kernel(logits, omega):
    logits_t = logits.T
    sample = _sc_sample(logits_t)
    multiplier = _tc_multiplier(logits_t, omega)
    return sample.reshape(-1, 1), multiplier, jnp.float32(0.0)

# --- scband reference (transcript-rebuilt; emitter-appended) ---
"""Pipeline reference for scband-sparse-mixer-40535901340365 (READ-ONLY COPY).

The authoritative reference and input builder live on the scoring server;
editing this copy changes nothing except your own understanding.
"""

import jax, jax.numpy as jnp
import numpy as np

JITTER_EPS = 0.1
NUM_TOKENS = 8192
NUM_EXPERTS = 64
EMBED_DIM = 4096


def setup_inputs(seed: int = 0) -> dict:
    key = jax.random.key(seed)
    k1, k2 = jax.random.split(key)
    logits = jax.random.normal(k1, (NUM_TOKENS, NUM_EXPERTS), dtype=jnp.float32)
    # learned parameter omega, initialized to ones per the module __init__
    omega = jnp.ones((EMBED_DIM,), dtype=jnp.float32)
    return {"logits": logits, "omega": omega}


def reference(logits, omega):
    # eval-mode path of SparseMixer.forward
    # no_grad block: compute threshold mask
    lg = jax.lax.stop_gradient(logits)
    max_val = jnp.max(lg, axis=-1, keepdims=True)
    max_ind = jnp.argmax(lg, axis=-1, keepdims=True)  # int indices, [N, 1]
    factor = jnp.maximum(jnp.abs(lg), max_val)  # abs().clamp(min=max_val)
    mask = (max_val - lg) / factor > 2.0 * JITTER_EPS
    # masked_fill_(mask, -inf)
    masked_logits = jnp.where(mask, -jnp.inf, logits)
    p = jax.nn.softmax(masked_logits, axis=-1)
    sample = max_ind  # eval: sample = argmax
    multiplier = jnp.take_along_axis(p, sample, axis=1)  # [N, 1]
    multiplier = multiplier * omega  # broadcast -> [N, embed_dim]
    balance_loss = jnp.float32(0.0)  # compute_balance_loss=False
    return (sample, multiplier, balance_loss)

if __name__ == "__main__":
    import jax
    _d = setup_inputs()
    print(jax.jit(kernel)(*tuple(_d.values())))

</pallas_src>

<mosaic_0001>
#map = affine_map<(d0, d1) -> (0, 0)>
#map1 = affine_map<(d0, d1) -> (0)>
module attributes {stable_mosaic.version = 14 : i64} {
  func.func @body(%arg0: i32, %arg1: i32, %arg2: memref<64x8192xf32, #tpu.memory_space<hbm>>, %arg3: memref<8192xi32, #tpu.memory_space<hbm>>, %arg4: memref<64x256xf32, #tpu.memory_space<vmem>>, %arg5: memref<256xi32, #tpu.memory_space<vmem>>) attributes {dimension_semantics = [#tpu.dimension_semantics<core_parallel>, #tpu.dimension_semantics<subcore_parallel>], iteration_bounds = array<i64: 2, 16>, scalar_prefetch = 0 : i64, scratch_operands = 2 : i64, tpu.core_type = #tpu.core_type<sc_vector_subcore>, window_params = [{transform_indices = #map}, {transform_indices = #map1}]} {
    %mul3A = arith.constant 2 : i32
    %mul3A_0 = arith.muli %arg1, %mul3A : i32
    %add3A = arith.addi %mul3A_0, %arg0 : i32
    %mul3A_1 = arith.constant 256 : i32
    %mul3A_2 = arith.muli %add3A, %mul3A_1 : i32
    "tpu.region"() ({
      %run_scoped3A = tpu.sem_alloc : memref<!tpu.dma_semaphore, #tpu.memory_space<semaphore_mem>>
      %dma_start3A = arith.constant 0 : i32
      %dma_start3A_8 = tpu.memref_slice %arg2[%dma_start3A, %mul3A_2] : memref<64x8192xf32, #tpu.memory_space<hbm>> -> memref<64x256xf32, #tpu.memory_space<hbm>>
      %dma_start3A_9 = arith.constant 0 : i32
      %dma_start3A_10 = tpu.memref_slice %arg2[%dma_start3A_9, %mul3A_2] : memref<64x8192xf32, #tpu.memory_space<hbm>> -> memref<64x256xf32, #tpu.memory_space<hbm>>
      tpu.enqueue_dma source(%dma_start3A_10 : memref<64x256xf32, #tpu.memory_space<hbm>>) target(%arg4 : memref<64x256xf32, #tpu.memory_space<vmem>>) target_semaphore(%run_scoped3A : memref<!tpu.dma_semaphore, #tpu.memory_space<semaphore_mem>>)
      %dma_wait3A = arith.constant 0 : i32
      %dma_wait3A_11 = tpu.memref_slice %arg2[%dma_wait3A, %mul3A_2] : memref<64x8192xf32, #tpu.memory_space<hbm>> -> memref<64x256xf32, #tpu.memory_space<hbm>>
      %dma_wait3A_12 = arith.constant 0 : i32
      %dma_wait3A_13 = tpu.memref_slice %arg2[%dma_wait3A_12, %mul3A_2] : memref<64x8192xf32, #tpu.memory_space<hbm>> -> memref<64x256xf32, #tpu.memory_space<hbm>>
      tpu.wait_dma2 semaphore(%run_scoped3A : memref<!tpu.dma_semaphore, #tpu.memory_space<semaphore_mem>>) src(%dma_wait3A_13 : memref<64x256xf32, #tpu.memory_space<hbm>>) dst(%arg4 : memref<64x256xf32, #tpu.memory_space<vmem>>)
      tpu.yield
    }) : () -> ()
    %scan3A = arith.constant 0 : i32
    %scan3A_3 = arith.constant 0 : i32
    %scan3A_4 = arith.constant 16 : i32
    %scan3A_5 = arith.addi %scan3A_3, %scan3A_4 : i32
    %scan3A_6 = arith.constant 1 : i32
    scf.for %scan3A_8 = %scan3A_3 to %scan3A_5 step %scan3A_6  : i32 {
      %mul3A_9 = arith.constant 16 : i32
      %mul3A_10 = arith.muli %scan3A_8, %mul3A_9 : i32
      %get3A = arith.constant 0 : i32
      %get3A_11 = arith.index_cast %get3A : i32 to index
      %get3A_12 = arith.index_cast %mul3A_10 : i32 to index
      %get3A_13 = tpu.vector_load %arg4[%get3A_11, %get3A_12] {strides = array<i32>} : memref<64x256xf32, #tpu.memory_space<vmem>>, vector<16xf32>,
      %broadcast_in_dim3A = arith.constant 0 : i32
      %broadcast_in_dim3A_14 = vector.broadcast %broadcast_in_dim3A : i32 to vector<16xi32>
      %get3A_15 = arith.constant 1 : i32
      %get3A_16 = arith.index_cast %get3A_15 : i32 to index
      %get3A_17 = arith.index_cast %mul3A_10 : i32 to index
      %get3A_18 = tpu.vector_load %arg4[%get3A_16, %get3A_17] {strides = array<i32>} : memref<64x256xf32, #tpu.memory_space<vmem>>, vector<16xf32>,
      %gt3A = arith.cmpf ogt, %get3A_18, %get3A_13 : vector<16xf32>
      %select_n3A = arith.select %gt3A, %get3A_18, %get3A_13 : vector<16xi1>, vector<16xf32>
      %broadcast_in_dim3A_19 = arith.constant 1 : i32
      %broadcast_in_dim3A_20 = vector.broadcast %broadcast_in_dim3A_19 : i32 to vector<16xi32>
      %select_n3A_21 = arith.select %gt3A, %broadcast_in_dim3A_20, %broadcast_in_dim3A_14 : vector<16xi1>, vector<16xi32>
      %get3A_22 = arith.constant 2 : i32
      %get3A_23 = arith.index_cast %get3A_22 : i32 to index
      %get3A_24 = arith.index_cast %mul3A_10 : i32 to index
      %get3A_25 = tpu.vector_load %arg4[%get3A_23, %get3A_24] {strides = array<i32>} : memref<64x256xf32, #tpu.memory_space<vmem>>, vector<16xf32>,
      %gt3A_26 = arith.cmpf ogt, %get3A_25, %select_n3A : vector<16xf32>
      %select_n3A_27 = arith.select %gt3A_26, %get3A_25, %select_n3A : vector<16xi1>, vector<16xf32>
      %broadcast_in_dim3A_28 = arith.constant 2 : i32
      %broadcast_in_dim3A_29 = vector.broadcast %broadcast_in_dim3A_28 : i32 to vector<16xi32>
      %select_n3A_30 = arith.select %gt3A_26, %broadcast_in_dim3A_29, %select_n3A_21 : vector<16xi1>, vector<16xi32>
      %get3A_31 = arith.constant 3 : i32
      %get3A_32 = arith.index_cast %get3A_31 : i32 to index
      %get3A_33 = arith.index_cast %mul3A_10 : i32 to index
      %get3A_34 = tpu.vector_load %arg4[%get3A_32, %get3A_33] {strides = array<i32>} : memref<64x256xf32, #tpu.memory_space<vmem>>, vector<16xf32>,
      %gt3A_35 = arith.cmpf ogt, %get3A_34, %select_n3A_27 : vector<16xf32>
      %select_n3A_36 = arith.select %gt3A_35, %get3A_34, %select_n3A_27 : vector<16xi1>, vector<16xf32>
      %broadcast_in_dim3A_37 = arith.constant 3 : i32
      %broadcast_in_dim3A_38 = vector.broadcast %broadcast_in_dim3A_37 : i32 to vector<16xi32>
      %select_n3A_39 = arith.select %gt3A_35, %broadcast_in_dim3A_38, %select_n3A_30 : vector<16xi1>, vector<16xi32>
      %get3A_40 = arith.constant 4 : i32
      %get3A_41 = arith.index_cast %get3A_40 : i32 to index
      %get3A_42 = arith.index_cast %mul3A_10 : i32 to index
      %get3A_43 = tpu.vector_load %arg4[%get3A_41, %get3A_42] {strides = array<i32>} : memref<64x256xf32, #tpu.memory_space<vmem>>, vector<16xf32>,
      %gt3A_44 = arith.cmpf ogt, %get3A_43, %select_n3A_36 : vector<16xf32>
      %select_n3A_45 = arith.select %gt3A_44, %get3A_43, %select_n3A_36 : vector<16xi1>, vector<16xf32>
      %broadcast_in_dim3A_46 = arith.constant 4 : i32
      %broadcast_in_dim3A_47 = vector.broadcast %broadcast_in_dim3A_46 : i32 to vector<16xi32>
      %select_n3A_48 = arith.select %gt3A_44, %broadcast_in_dim3A_47, %select_n3A_39 : vector<16xi1>, vector<16xi32>
      %get3A_49 = arith.constant 5 : i32
      %get3A_50 = arith.index_cast %get3A_49 : i32 to index
      %get3A_51 = arith.index_cast %mul3A_10 : i32 to index
      %get3A_52 = tpu.vector_load %arg4[%get3A_50, %get3A_51] {strides = array<i32>} : memref<64x256xf32, #tpu.memory_space<vmem>>, vector<16xf32>,
      %gt3A_53 = arith.cmpf ogt, %get3A_52, %select_n3A_45 : vector<16xf32>
      %select_n3A_54 = arith.select %gt3A_53, %get3A_52, %select_n3A_45 : vector<16xi1>, vector<16xf32>
      %broadcast_in_dim3A_55 = arith.constant 5 : i32
      %broadcast_in_dim3A_56 = vector.broadcast %broadcast_in_dim3A_55 : i32 to vector<16xi32>
      %select_n3A_57 = arith.select %gt3A_53, %broadcast_in_dim3A_56, %select_n3A_48 : vector<16xi1>, vector<16xi32>
      %get3A_58 = arith.constant 6 : i32
      %get3A_59 = arith.index_cast %get3A_58 : i32 to index
      %get3A_60 = arith.index_cast %mul3A_10 : i32 to index
      %get3A_61 = tpu.vector_load %arg4[%get3A_59, %get3A_60] {strides = array<i32>} : memref<64x256xf32, #tpu.memory_space<vmem>>, vector<16xf32>,
      %gt3A_62 = arith.cmpf ogt, %get3A_61, %select_n3A_54 : vector<16xf32>
      %select_n3A_63 = arith.select %gt3A_62, %get3A_61, %select_n3A_54 : vector<16xi1>, vector<16xf32>
      %broadcast_in_dim3A_64 = arith.constant 6 : i32
      %broadcast_in_dim3A_65 = vector.broadcast %broadcast_in_dim3A_64 : i32 to vector<16xi32>
      %select_n3A_66 = arith.select %gt3A_62, %broadcast_in_dim3A_65, %select_n3A_57 : vector<16xi1>, vector<16xi32>
      %get3A_67 = arith.constant 7 : i32
      %get3A_68 = arith.index_cast %get3A_67 : i32 to index
      %get3A_69 = arith.index_cast %mul3A_10 : i32 to index
      %get3A_70 = tpu.vector_load %arg4[%get3A_68, %get3A_69] {strides = array<i32>} : memref<64x256xf32, #tpu.memory_space<vmem>>, vector<16xf32>,
      %gt3A_71 = arith.cmpf ogt, %get3A_70, %select_n3A_63 : vector<16xf32>
      %select_n3A_72 = arith.select %gt3A_71, %get3A_70, %select_n3A_63 : vector<16xi1>, vector<16xf32>
      %broadcast_in_dim3A_73 = arith.constant 7 : i32
      %broadcast_in_dim3A_74 = vector.broadcast %broadcast_in_dim3A_73 : i32 to vector<16xi32>
      %select_n3A_75 = arith.select %gt3A_71, %broadcast_in_dim3A_74, %select_n3A_66 : vector<16xi1>, vector<16xi32>
      %get3A_76 = arith.constant 8 : i32
      %get3A_77 = arith.index_cast %get3A_76 : i32 to index
      %get3A_78 = arith.index_cast %mul3A_10 : i32 to index
      %get3A_79 = tpu.vector_load %arg4[%get3A_77, %get3A_78] {strides = array<i32>} : memref<64x256xf32, #tpu.memory_space<vmem>>, vector<16xf32>,
      %gt3A_80 = arith.cmpf ogt, %get3A_79, %select_n3A_72 : vector<16xf32>
      %select_n3A_81 = arith.select %gt3A_80, %get3A_79, %select_n3A_72 : vector<16xi1>, vector<16xf32>
      %broadcast_in_dim3A_82 = arith.constant 8 : i32
      %broadcast_in_dim3A_83 = vector.broadcast %broadcast_in_dim3A_82 : i32 to vector<16xi32>
      %select_n3A_84 = arith.select %gt3A_80, %broadcast_in_dim3A_83, %select_n3A_75 : vector<16xi1>, vector<16xi32>
      %get3A_85 = arith.constant 9 : i32
      %get3A_86 = arith.index_cast %get3A_85 : i32 to index
      %get3A_87 = arith.index_cast %mul3A_10 : i32 to index
      %get3A_88 = tpu.vector_load %arg4[%get3A_86, %get3A_87] {strides = array<i32>} : memref<64x256xf32, #tpu.memory_space<vmem>>, vector<16xf32>,
      %gt3A_89 = arith.cmpf ogt, %get3A_88, %select_n3A_81 : vector<16xf32>
      %select_n3A_90 = arith.select %gt3A_89, %get3A_88, %select_n3A_81 : vector<16xi1>, vector<16xf32>
      %broadcast_in_dim3A_91 = arith.constant 9 : i32
      %broadcast_in_dim3A_92 = vector.broadcast %broadcast_in_dim3A_91 : i32 to vector<16xi32>
      %select_n3A_93 = arith.select %gt3A_89, %broadcast_in_dim3A_92, %select_n3A_84 : vector<16xi1>, vector<16xi32>
      %get3A_94 = arith.constant 10 : i32
      %get3A_95 = arith.index_cast %get3A_94 : i32 to index
      %get3A_96 = arith.index_cast %mul3A_10 : i32 to index
      %get3A_97 = tpu.vector_load %arg4[%get3A_95, %get3A_96] {strides = array<i32>} : memref<64x256xf32, #tpu.memory_space<vmem>>, vector<16xf32>,
      %gt3A_98 = arith.cmpf ogt, %get3A_97, %select_n3A_90 : vector<16xf32>
      %select_n3A_99 = arith.select %gt3A_98, %get3A_97, %select_n3A_90 : vector<16xi1>, vector<16xf32>
      %broadcast_in_dim3A_100 = arith.constant 10 : i32
      %broadcast_in_dim3A_101 = vector.broadcast %broadcast_in_dim3A_100 : i32 to vector<16xi32>
      %select_n3A_102 = arith.select %gt3A_98, %broadcast_in_dim3A_101, %select_n3A_93 : vector<16xi1>, vector<16xi32>
      %get3A_103 = arith.constant 11 : i32
      %get3A_104 = arith.index_cast %get3A_103 : i32 to index
      %get3A_105 = arith.index_cast %mul3A_10 : i32 to index
      %get3A_106 = tpu.vector_load %arg4[%get3A_104, %get3A_105] {strides = array<i32>} : memref<64x256xf32, #tpu.memory_space<vmem>>, vector<16xf32>,
      %gt3A_107 = arith.cmpf ogt, %get3A_106, %select_n3A_99 : vector<16xf32>
      %select_n3A_108 = arith.select %gt3A_107, %get3A_106, %select_n3A_99 : vector<16xi1>, vector<16xf32>
      %broadcast_in_dim3A_109 = arith.constant 11 : i32
      %broadcast_in_dim3A_110 = vector.broadcast %broadcast_in_dim3A_109 : i32 to vector<16xi32>
      %select_n3A_111 = arith.select %gt3A_107, %broadcast_in_dim3A_110, %select_n3A_102 : vector<16xi1>, vector<16xi32>
      %get3A_112 = arith.constant 12 : i32
      %get3A_113 = arith.index_cast %get3A_112 : i32 to index
      %get3A_114 = arith.index_cast %mul3A_10 : i32 to index
      %get3A_115 = tpu.vector_load %arg4[%get3A_113, %get3A_114] {strides = array<i32>} : memref<64x256xf32, #tpu.memory_space<vmem>>, vector<16xf32>,
      %gt3A_116 = arith.cmpf ogt, %get3A_115, %select_n3A_108 : vector<16xf32>
      %select_n3A_117 = arith.select %gt3A_116, %get3A_115, %select_n3A_108 : vector<16xi1>, vector<16xf32>
      %broadcast_in_dim3A_118 = arith.constant 12 : i32
      %broadcast_in_dim3A_119 = vector.broadcast %broadcast_in_dim3A_118 : i32 to vector<16xi32>
      %select_n3A_120 = arith.select %gt3A_116, %broadcast_in_dim3A_119, %select_n3A_111 : vector<16xi1>, vector<16xi32>
      %get3A_121 = arith.constant 13 : i32
      %get3A_122 = arith.index_cast %get3A_121 : i32 to index
      %get3A_123 = arith.index_cast %mul3A_10 : i32 to index
      %get3A_124 = tpu.vector_load %arg4[%get3A_122, %get3A_123] {strides = array<i32>} : memref<64x256xf32, #tpu.memory_space<vmem>>, vector<16xf32>,
      %gt3A_125 = arith.cmpf ogt, %get3A_124, %select_n3A_117 : vector<16xf32>
      %select_n3A_126 = arith.select %gt3A_125, %get3A_124, %select_n3A_117 : vector<16xi1>, vector<16xf32>
      %broadcast_in_dim3A_127 = arith.constant 13 : i32
      %broadcast_in_dim3A_128 = vector.broadcast %broadcast_in_dim3A_127 : i32 to vector<16xi32>
      %select_n3A_129 = arith.select %gt3A_125, %broadcast_in_dim3A_128, %select_n3A_120 : vector<16xi1>, vector<16xi32>
      %get3A_130 = arith.constant 14 : i32
      %get3A_131 = arith.index_cast %get3A_130 : i32 to index
      %get3A_132 = arith.index_cast %mul3A_10 : i32 to index
      %get3A_133 = tpu.vector_load %arg4[%get3A_131, %get3A_132] {strides = array<i32>} : memref<64x256xf32, #tpu.memory_space<vmem>>, vector<16xf32>,
      %gt3A_134 = arith.cmpf ogt, %get3A_133, %select_n3A_126 : vector<16xf32>
      %select_n3A_135 = arith.select %gt3A_134, %get3A_133, %select_n3A_126 : vector<16xi1>, vector<16xf32>
      %broadcast_in_dim3A_136 = arith.constant 14 : i32
      %broadcast_in_dim3A_137 = vector.broadcast %broadcast_in_dim3A_136 : i32 to vector<16xi32>
      %select_n3A_138 = arith.select %gt3A_134, %broadcast_in_dim3A_137, %select_n3A_129 : vector<16xi1>, vector<16xi32>
      %get3A_139 = arith.constant 15 : i32
      %get3A_140 = arith.index_cast %get3A_139 : i32 to index
      %get3A_141 = arith.index_cast %mul3A_10 : i32 to index
      %get3A_142 = tpu.vector_load %arg4[%get3A_140, %get3A_141] {strides = array<i32>} : memref<64x256xf32, #tpu.memory_space<vmem>>, vector<16xf32>,
      %gt3A_143 = arith.cmpf ogt, %get3A_142, %select_n3A_135 : vector<16xf32>
      %select_n3A_144 = arith.select %gt3A_143, %get3A_142, %select_n3A_135 : vector<16xi1>, vector<16xf32>
      %broadcast_in_dim3A_145 = arith.constant 15 : i32
      %broadcast_in_dim3A_146 = vector.broadcast %broadcast_in_dim3A_145 : i32 to vector<16xi32>
      %select_n3A_147 = arith.select %gt3A_143, %broadcast_in_dim3A_146, %select_n3A_138 : vector<16xi1>, vector<16xi32>
      %get3A_148 = arith.constant 16 : i32
      %get3A_149 = arith.index_cast %get3A_148 : i32 to index
      %get3A_150 = arith.index_cast %mul3A_10 : i32 to index
      %get3A_151 = tpu.vector_load %arg4[%get3A_149, %get3A_150] {strides = array<i32>} : memref<64x256xf32, #tpu.memory_space<vmem>>, vector<16xf32>,
      %gt3A_152 = arith.cmpf ogt, %get3A_151, %select_n3A_144 : vector<16xf32>
      %select_n3A_153 = arith.select %gt3A_152, %get3A_151, %select_n3A_144 : vector<16xi1>, vector<16xf32>
      %broadcast_in_dim3A_154 = arith.constant 16 : i32
      %broadcast_in_dim3A_155 = vector.broadcast %broadcast_in_dim3A_154 : i32 to vector<16xi32>
      %select_n3A_156 = arith.select %gt3A_152, %broadcast_in_dim3A_155, %select_n3A_147 : vector<16xi1>, vector<16xi32>
      %get3A_157 = arith.constant 17 : i32
      %get3A_158 = arith.index_cast %get3A_157 : i32 to index
      %get3A_159 = arith.index_cast %mul3A_10 : i32 to index
      %get3A_160 = tpu.vector_load %arg4[%get3A_158, %get3A_159] {strides = array<i32>} : memref<64x256xf32, #tpu.memory_space<vmem>>, vector<16xf32>,
      %gt3A_161 = arith.cmpf ogt, %get3A_160, %select_n3A_153 : vector<16xf32>
      %select_n3A_162 = arith.select %gt3A_161, %get3A_160, %select_n3A_153 : vector<16xi1>, vector<16xf32>
      %broadcast_in_dim3A_163 = arith.constant 17 : i32
      %broadcast_in_dim3A_164 = vector.broadcast %broadcast_in_dim3A_163 : i32 to vector<16xi32>
      %select_n3A_165 = arith.select %gt3A_161, %broadcast_in_dim3A_164, %select_n3A_156 : vector<16xi1>, vector<16xi32>
      %get3A_166 = arith.constant 18 : i32
      %get3A_167 = arith.index_cast %get3A_166 : i32 to index
      %get3A_168 = arith.index_cast %mul3A_10 : i32 to index
      %get3A_169 = tpu.vector_load %arg4[%get3A_167, %get3A_168] {strides = array<i32>} : memref<64x256xf32, #tpu.memory_space<vmem>>, vector<16xf32>,
      %gt3A_170 = arith.cmpf ogt, %get3A_169, %select_n3A_162 : vector<16xf32>
      %select_n3A_171 = arith.select %gt3A_170, %get3A_169, %select_n3A_162 : vector<16xi1>, vector<16xf32>
      %broadcast_in_dim3A_172 = arith.constant 18 : i32
      %broadcast_in_dim3A_173 = vector.broadcast %broadcast_in_dim3A_172 : i32 to vector<16xi32>
      %select_n3A_174 = arith.select %gt3A_170, %broadcast_in_dim3A_173, %select_n3A_165 : vector<16xi1>, vector<16xi32>
      %get3A_175 = arith.constant 19 : i32
      %get3A_176 = arith.index_cast %get3A_175 : i32 to index
      %get3A_177 = arith.index_cast %mul3A_10 : i32 to index
      %get3A_178 = tpu.vector_load %arg4[%get3A_176, %get3A_177] {strides = array<i32>} : memref<64x256xf32, #tpu.memory_space<vmem>>, vector<16xf32>,
      %gt3A_179 = arith.cmpf ogt, %get3A_178, %select_n3A_171 : vector<16xf32>
      %select_n3A_180 = arith.select %gt3A_179, %get3A_178, %select_n3A_171 : vector<16xi1>, vector<16xf32>
      %broadcast_in_dim3A_181 = arith.constant 19 : i32
      %broadcast_in_dim3A_182 = vector.broadcast %broadcast_in_dim3A_181 : i32 to vector<16xi32>
      %select_n3A_183 = arith.select %gt3A_179, %broadcast_in_dim3A_182, %select_n3A_174 : vector<16xi1>, vector<16xi32>
      %get3A_184 = arith.constant 20 : i32
      %get3A_185 = arith.index_cast %get3A_184 : i32 to index
      %get3A_186 = arith.index_cast %mul3A_10 : i32 to index
      %get3A_187 = tpu.vector_load %arg4[%get3A_185, %get3A_186] {strides = array<i32>} : memref<64x256xf32, #tpu.memory_space<vmem>>, vector<16xf32>,
      %gt3A_188 = arith.cmpf ogt, %get3A_187, %select_n3A_180 : vector<16xf32>
      %select_n3A_189 = arith.select %gt3A_188, %get3A_187, %select_n3A_180 : vector<16xi1>, vector<16xf32>
      %broadcast_in_dim3A_190 = arith.constant 20 : i32
      %broadcast_in_dim3A_191 = vector.broadcast %broadcast_in_dim3A_190 : i32 to vector<16xi32>
      %select_n3A_192 = arith.select %gt3A_188, %broadcast_in_dim3A_191, %select_n3A_183 : vector<16xi1>, vector<16xi32>
      %get3A_193 = arith.constant 21 : i32
      %get3A_194 = arith.index_cast %get3A_193 : i32 to index
      %get3A_195 = arith.index_cast %mul3A_10 : i32 to index
      %get3A_196 = tpu.vector_load %arg4[%get3A_194, %get3A_195] {strides = array<i32>} : memref<64x256xf32, #tpu.memory_space<vmem>>, vector<16xf32>,
      %gt3A_197 = arith.cmpf ogt, %get3A_196, %select_n3A_189 : vector<16xf32>
      %select_n3A_198 = arith.select %gt3A_197, %get3A_196, %select_n3A_189 : vector<16xi1>, vector<16xf32>
      %broadcast_in_dim3A_199 = arith.constant 21 : i32
      %broadcast_in_dim3A_200 = vector.broadcast %broadcast_in_dim3A_199 : i32 to vector<16xi32>
      %select_n3A_201 = arith.select %gt3A_197, %broadcast_in_dim3A_200, %select_n3A_192 : vector<16xi1>, vector<16xi32>
      %get3A_202 = arith.constant 22 : i32
      %get3A_203 = arith.index_cast %get3A_202 : i32 to index
      %get3A_204 = arith.index_cast %mul3A_10 : i32 to index
      %get3A_205 = tpu.vector_load %arg4[%get3A_203, %get3A_204] {strides = array<i32>} : memref<64x256xf32, #tpu.memory_space<vmem>>, vector<16xf32>,
      %gt3A_206 = arith.cmpf ogt, %get3A_205, %select_n3A_198 : vector<16xf32>
      %select_n3A_207 = arith.select %gt3A_206, %get3A_205, %select_n3A_198 : vector<16xi1>, vector<16xf32>
      %broadcast_in_dim3A_208 = arith.constant 22 : i32
      %broadcast_in_dim3A_209 = vector.broadcast %broadcast_in_dim3A_208 : i32 to vector<16xi32>
      %select_n3A_210 = arith.select %gt3A_206, %broadcast_in_dim3A_209, %select_n3A_201 : vector<16xi1>, vector<16xi32>
      %get3A_211 = arith.constant 23 : i32
      %get3A_212 = arith.index_cast %get3A_211 : i32 to index
      %get3A_213 = arith.index_cast %mul3A_10 : i32 to index
      %get3A_214 = tpu.vector_load %arg4[%get3A_212, %get3A_213] {strides = array<i32>} : memref<64x256xf32, #tpu.memory_space<vmem>>, vector<16xf32>,
      %gt3A_215 = arith.cmpf ogt, %get3A_214, %select_n3A_207 : vector<16xf32>
      %select_n3A_216 = arith.select %gt3A_215, %get3A_214, %select_n3A_207 : vector<16xi1>, vector<16xf32>
      %broadcast_in_dim3A_217 = arith.constant 23 : i32
      %broadcast_in_dim3A_218 = vector.broadcast %broadcast_in_dim3A_217 : i32 to vector<16xi32>
      %select_n3A_219 = arith.select %gt3A_215, %broadcast_in_dim3A_218, %select_n3A_210 : vector<16xi1>, vector<16xi32>
      %get3A_220 = arith.constant 24 : i32
      %get3A_221 = arith.index_cast %get3A_220 : i32 to index
      %get3A_222 = arith.index_cast %mul3A_10 : i32 to index
      %get3A_223 = tpu.vector_load %arg4[%get3A_221, %get3A_222] {strides = array<i32>} : memref<64x256xf32, #tpu.memory_space<vmem>>, vector<16xf32>,
      %gt3A_224 = arith.cmpf ogt, %get3A_223, %select_n3A_216 : vector<16xf32>
      %select_n3A_225 = arith.select %gt3A_224, %get3A_223, %select_n3A_216 : vector<16xi1>, vector<16xf32>
      %broadcast_in_dim3A_226 = arith.constant 24 : i32
      %broadcast_in_dim3A_227 = vector.broadcast %broadcast_in_dim3A_226 : i32 to vector<16xi32>
      %select_n3A_228 = arith.select %gt3A_224, %broadcast_in_dim3A_227, %select_n3A_219 : vector<16xi1>, vector<16xi32>
      %get3A_229 = arith.constant 25 : i32
      %get3A_230 = arith.index_cast %get3A_229 : i32 to index
      %get3A_231 = arith.index_cast %mul3A_10 : i32 to index
      %get3A_232 = tpu.vector_load %arg4[%get3A_230, %get3A_231] {strides = array<i32>} : memref<64x256xf32, #tpu.memory_space<vmem>>, vector<16xf32>,
      %gt3A_233 = arith.cmpf ogt, %get3A_232, %select_n3A_225 : vector<16xf32>
      %select_n3A_234 = arith.select %gt3A_233, %get3A_232, %select_n3A_225 : vector<16xi1>, vector<16xf32>
      %broadcast_in_dim3A_235 = arith.constant 25 : i32
      %broadcast_in_dim3A_236 = vector.broadcast %broadcast_in_dim3A_235 : i32 to vector<16xi32>
      %select_n3A_237 = arith.select %gt3A_233, %broadcast_in_dim3A_236, %select_n3A_228 : vector<16xi1>, vector<16xi32>
      %get3A_238 = arith.constant 26 : i32
      %get3A_239 = arith.index_cast %get3A_238 : i32 to index
      %get3A_240 = arith.index_cast %mul3A_10 : i32 to index
      %get3A_241 = tpu.vector_load %arg4[%get3A_239, %get3A_240] {strides = array<i32>} : memref<64x256xf32, #tpu.memory_space<vmem>>, vector<16xf32>,
      %gt3A_242 = arith.cmpf ogt, %get3A_241, %select_n3A_234 : vector<16xf32>
      %select_n3A_243 = arith.select %gt3A_242, %get3A_241, %select_n3A_234 : vector<16xi1>, vector<16xf32>
      %broadcast_in_dim3A_244 = arith.constant 26 : i32
      %broadcast_in_dim3A_245 = vector.broadcast %broadcast_in_dim3A_244 : i32 to vector<16xi32>
      %select_n3A_246 = arith.select %gt3A_242, %broadcast_in_dim3A_245, %select_n3A_237 : vector<16xi1>, vector<16xi32>
      %get3A_247 = arith.constant 27 : i32
      %get3A_248 = arith.index_cast %get3A_247 : i32 to index
      %get3A_249 = arith.index_cast %mul3A_10 : i32 to index
      %get3A_250 = tpu.vector_load %arg4[%get3A_248, %get3A_249] {strides = array<i32>} : memref<64x256xf32, #tpu.memory_space<vmem>>, vector<16xf32>,
      %gt3A_251 = arith.cmpf ogt, %get3A_250, %select_n3A_243 : vector<16xf32>
      %select_n3A_252 = arith.select %gt3A_251, %get3A_250, %select_n3A_243 : vector<16xi1>, vector<16xf32>
      %broadcast_in_dim3A_253 = arith.constant 27 : i32
      %broadcast_in_dim3A_254 = vector.broadcast %broadcast_in_dim3A_253 : i32 to vector<16xi32>
      %select_n3A_255 = arith.select %gt3A_251, %broadcast_in_dim3A_254, %select_n3A_246 : vector<16xi1>, vector<16xi32>
      %get3A_256 = arith.constant 28 : i32
      %get3A_257 = arith.index_cast %get3A_256 : i32 to index
      %get3A_258 = arith.index_cast %mul3A_10 : i32 to index
      %get3A_259 = tpu.vector_load %arg4[%get3A_257, %get3A_258] {strides = array<i32>} : memref<64x256xf32, #tpu.memory_space<vmem>>, vector<16xf32>,
      %gt3A_260 = arith.cmpf ogt, %get3A_259, %select_n3A_252 : vector<16xf32>
      %select_n3A_261 = arith.select %gt3A_260, %get3A_259, %select_n3A_252 : vector<16xi1>, vector<16xf32>
      %broadcast_in_dim3A_262 = arith.constant 28 : i32
      %broadcast_in_dim3A_263 = vector.broadcast %broadcast_in_dim3A_262 : i32 to vector<16xi32>
      %select_n3A_264 = arith.select %gt3A_260, %broadcast_in_dim3A_263, %select_n3A_255 : vector<16xi1>, vector<16xi32>
      %get3A_265 = arith.constant 29 : i32
      %get3A_266 = arith.index_cast %get3A_265 : i32 to index
      %get3A_267 = arith.index_cast %mul3A_10 : i32 to index
      %get3A_268 = tpu.vector_load %arg4[%get3A_266, %get3A_267] {strides = array<i32>} : memref<64x256xf32, #tpu.memory_space<vmem>>, vector<16xf32>,
      %gt3A_269 = arith.cmpf ogt, %get3A_268, %select_n3A_261 : vector<16xf32>
      %select_n3A_270 = arith.select %gt3A_269, %get3A_268, %select_n3A_261 : vector<16xi1>, vector<16xf32>
      %broadcast_in_dim3A_271 = arith.constant 29 : i32
      %broadcast_in_dim3A_272 = vector.broadcast %broadcast_in_dim3A_271 : i32 to vector<16xi32>
      %select_n3A_273 = arith.select %gt3A_269, %broadcast_in_dim3A_272, %select_n3A_264 : vector<16xi1>, vector<16xi32>
      %get3A_274 = arith.constant 30 : i32
      %get3A_275 = arith.index_cast %get3A_274 : i32 to index
      %get3A_276 = arith.index_cast %mul3A_10 : i32 to index
      %get3A_277 = tpu.vector_load %arg4[%get3A_275, %get3A_276] {strides = array<i32>} : memref<64x256xf32, #tpu.memory_space<vmem>>, vector<16xf32>,
      %gt3A_278 = arith.cmpf ogt, %get3A_277, %select_n3A_270 : vector<16xf32>
      %select_n3A_279 = arith.select %gt3A_278, %get3A_277, %select_n3A_270 : vector<16xi1>, vector<16xf32>
      %broadcast_in_dim3A_280 = arith.constant 30 : i32
      %broadcast_in_dim3A_281 = vector.broadcast %broadcast_in_dim3A_280 : i32 to vector<16xi32>
      %select_n3A_282 = arith.select %gt3A_278, %broadcast_in_dim3A_281, %select_n3A_273 : vector<16xi1>, vector<16xi32>
      %get3A_283 = arith.constant 31 : i32
      %get3A_284 = arith.index_cast %get3A_283 : i32 to index
      %get3A_285 = arith.index_cast %mul3A_10 : i32 to index
      %get3A_286 = tpu.vector_load %arg4[%get3A_284, %get3A_285] {strides = array<i32>} : memref<64x256xf32, #tpu.memory_space<vmem>>, vector<16xf32>,
      %gt3A_287 = arith.cmpf ogt, %get3A_286, %select_n3A_279 : vector<16xf32>
      %select_n3A_288 = arith.select %gt3A_287, %get3A_286, %select_n3A_279 : vector<16xi1>, vector<16xf32>
      %broadcast_in_dim3A_289 = arith.constant 31 : i32
      %broadcast_in_dim3A_290 = vector.broadcast %broadcast_in_dim3A_289 : i32 to vector<16xi32>
      %select_n3A_291 = arith.select %gt3A_287, %broadcast_in_dim3A_290, %select_n3A_282 : vector<16xi1>, vector<16xi32>
      %get3A_292 = arith.constant 32 : i32
      %get3A_293 = arith.index_cast %get3A_292 : i32 to index
      %get3A_294 = arith.index_cast %mul3A_10 : i32 to index
      %get3A_295 = tpu.vector_load %arg4[%get3A_293, %get3A_294] {strides = array<i32>} : memref<64x256xf32, #tpu.memory_space<vmem>>, vector<16xf32>,
      %gt3A_296 = arith.cmpf ogt, %get3A_295, %select_n3A_288 : vector<16xf32>
      %select_n3A_297 = arith.select %gt3A_296, %get3A_295, %select_n3A_288 : vector<16xi1>, vector<16xf32>
      %broadcast_in_dim3A_298 = arith.constant 32 : i32
      %broadcast_in_dim3A_299 = vector.broadcast %broadcast_in_dim3A_298 : i32 to vector<16xi32>
      %select_n3A_300 = arith.select %gt3A_296, %broadcast_in_dim3A_299, %select_n3A_291 : vector<16xi1>, vector<16xi32>
      %get3A_301 = arith.constant 33 : i32
      %get3A_302 = arith.index_cast %get3A_301 : i32 to index
      %get3A_303 = arith.index_cast %mul3A_10 : i32 to index
      %get3A_304 = tpu.vector_load %arg4[%get3A_302, %get3A_303] {strides = array<i32>} : memref<64x256xf32, #tpu.memory_space<vmem>>, vector<16xf32>,
      %gt3A_305 = arith.cmpf ogt, %get3A_304, %select_n3A_297 : vector<16xf32>
      %select_n3A_306 = arith.select %gt3A_305, %get3A_304, %select_n3A_297 : vector<16xi1>, vector<16xf32>
      %broadcast_in_dim3A_307 = arith.constant 33 : i32
      %broadcast_in_dim3A_308 = vector.broadcast %broadcast_in_dim3A_307 : i32 to vector<16xi32>
      %select_n3A_309 = arith.select %gt3A_305, %broadcast_in_dim3A_308, %select_n3A_300 : vector<16xi1>, vector<16xi32>
      %get3A_310 = arith.constant 34 : i32
      %get3A_311 = arith.index_cast %get3A_310 : i32 to index
      %get3A_312 = arith.index_cast %mul3A_10 : i32 to index
      %get3A_313 = tpu.vector_load %arg4[%get3A_311, %get3A_312] {strides = array<i32>} : memref<64x256xf32, #tpu.memory_space<vmem>>, vector<16xf32>,
      %gt3A_314 = arith.cmpf ogt, %get3A_313, %select_n3A_306 : vector<16xf32>
      %select_n3A_315 = arith.select %gt3A_314, %get3A_313, %select_n3A_306 : vector<16xi1>, vector<16xf32>
      %broadcast_in_dim3A_316 = arith.constant 34 : i32
      %broadcast_in_dim3A_317 = vector.broadcast %broadcast_in_dim3A_316 : i32 to vector<16xi32>
      %select_n3A_318 = arith.select %gt3A_314, %broadcast_in_dim3A_317, %select_n3A_309 : vector<16xi1>, vector<16xi32>
      %get3A_319 = arith.constant 35 : i32
      %get3A_320 = arith.index_cast %get3A_319 : i32 to index
      %get3A_321 = arith.index_cast %mul3A_10 : i32 to index
      %get3A_322 = tpu.vector_load %arg4[%get3A_320, %get3A_321] {strides = array<i32>} : memref<64x256xf32, #tpu.memory_space<vmem>>, vector<16xf32>,
      %gt3A_323 = arith.cmpf ogt, %get3A_322, %select_n3A_315 : vector<16xf32>
      %select_n3A_324 = arith.select %gt3A_323, %get3A_322, %select_n3A_315 : vector<16xi1>, vector<16xf32>
      %broadcast_in_dim3A_325 = arith.constant 35 : i32
      %broadcast_in_dim3A_326 = vector.broadcast %broadcast_in_dim3A_325 : i32 to vector<16xi32>
      %select_n3A_327 = arith.select %gt3A_323, %broadcast_in_dim3A_326, %select_n3A_318 : vector<16xi1>, vector<16xi32>
      %get3A_328 = arith.constant 36 : i32
      %get3A_329 = arith.index_cast %get3A_328 : i32 to index
      %get3A_330 = arith.index_cast %mul3A_10 : i32 to index
      %get3A_331 = tpu.vector_load %arg4[%get3A_329, %get3A_330] {strides = array<i32>} : memref<64x256xf32, #tpu.memory_space<vmem>>, vector<16xf32>,
      %gt3A_332 = arith.cmpf ogt, %get3A_331, %select_n3A_324 : vector<16xf32>
      %select_n3A_333 = arith.select %gt3A_332, %get3A_331, %select_n3A_324 : vector<16xi1>, vector<16xf32>
      %broadcast_in_dim3A_334 = arith.constant 36 : i32
      %broadcast_in_dim3A_335 = vector.broadcast %broadcast_in_dim3A_334 : i32 to vector<16xi32>
      %select_n3A_336 = arith.select %gt3A_332, %broadcast_in_dim3A_335, %select_n3A_327 : vector<16xi1>, vector<16xi32>
      %get3A_337 = arith.constant 37 : i32
      %get3A_338 = arith.index_cast %get3A_337 : i32 to index
      %get3A_339 = arith.index_cast %mul3A_10 : i32 to index
      %get3A_340 = tpu.vector_load %arg4[%get3A_338, %get3A_339] {strides = array<i32>} : memref<64x256xf32, #tpu.memory_space<vmem>>, vector<16xf32>,
      %gt3A_341 = arith.cmpf ogt, %get3A_340, %select_n3A_333 : vector<16xf32>
      %select_n3A_342 = arith.select %gt3A_341, %get3A_340, %select_n3A_333 : vector<16xi1>, vector<16xf32>
      %broadcast_in_dim3A_343 = arith.constant 37 : i32
      %broadcast_in_dim3A_344 = vector.broadcast %broadcast_in_dim3A_343 : i32 to vector<16xi32>
      %select_n3A_345 = arith.select %gt3A_341, %broadcast_in_dim3A_344, %select_n3A_336 : vector<16xi1>, vector<16xi32>
      %get3A_346 = arith.constant 38 : i32
      %get3A_347 = arith.index_cast %get3A_346 : i32 to index
      %get3A_348 = arith.index_cast %mul3A_10 : i32 to index
      %get3A_349 = tpu.vector_load %arg4[%get3A_347, %get3A_348] {strides = array<i32>} : memref<64x256xf32, #tpu.memory_space<vmem>>, vector<16xf32>,
      %gt3A_350 = arith.cmpf ogt, %get3A_349, %select_n3A_342 : vector<16xf32>
      %select_n3A_351 = arith.select %gt3A_350, %get3A_349, %select_n3A_342 : vector<16xi1>, vector<16xf32>
      %broadcast_in_dim3A_352 = arith.constant 38 : i32
      %broadcast_in_dim3A_353 = vector.broadcast %broadcast_in_dim3A_352 : i32 to vector<16xi32>
      %select_n3A_354 = arith.select %gt3A_350, %broadcast_in_dim3A_353, %select_n3A_345 : vector<16xi1>, vector<16xi32>
      %get3A_355 = arith.constant 39 : i32
      %get3A_356 = arith.index_cast %get3A_355 : i32 to index
      %get3A_357 = arith.index_cast %mul3A_10 : i32 to index
      %get3A_358 = tpu.vector_load %arg4[%get3A_356, %get3A_357] {strides = array<i32>} : memref<64x256xf32, #tpu.memory_space<vmem>>, vector<16xf32>,
      %gt3A_359 = arith.cmpf ogt, %get3A_358, %select_n3A_351 : vector<16xf32>
      %select_n3A_360 = arith.select %gt3A_359, %get3A_358, %select_n3A_351 : vector<16xi1>, vector<16xf32>
      %broadcast_in_dim3A_361 = arith.constant 39 : i32
      %broadcast_in_dim3A_362 = vector.broadcast %broadcast_in_dim3A_361 : i32 to vector<16xi32>
      %select_n3A_363 = arith.select %gt3A_359, %broadcast_in_dim3A_362, %select_n3A_354 : vector<16xi1>, vector<16xi32>
      %get3A_364 = arith.constant 40 : i32
      %get3A_365 = arith.index_cast %get3A_364 : i32 to index
      %get3A_366 = arith.index_cast %mul3A_10 : i32 to index
      %get3A_367 = tpu.vector_load %arg4[%get3A_365, %get3A_366] {strides = array<i32>} : memref<64x256xf32, #tpu.memory_space<vmem>>, vector<16xf32>,
      %gt3A_368 = arith.cmpf ogt, %get3A_367, %select_n3A_360 : vector<16xf32>
      %select_n3A_369 = arith.select %gt3A_368, %get3A_367, %select_n3A_360 : vector<16xi1>, vector<16xf32>
      %broadcast_in_dim3A_370 = arith.constant 40 : i32
      %broadcast_in_dim3A_371 = vector.broadcast %broadcast_in_dim3A_370 : i32 to vector<16xi32>
      %select_n3A_372 = arith.select %gt3A_368, %broadcast_in_dim3A_371, %select_n3A_363 : vector<16xi1>, vector<16xi32>
      %get3A_373 = arith.constant 41 : i32
      %get3A_374 = arith.index_cast %get3A_373 : i32 to index
      %get3A_375 = arith.index_cast %mul3A_10 : i32 to index
      %get3A_376 = tpu.vector_load %arg4[%get3A_374, %get3A_375] {strides = array<i32>} : memref<64x256xf32, #tpu.memory_space<vmem>>, vector<16xf32>,
      %gt3A_377 = arith.cmpf ogt, %get3A_376, %select_n3A_369 : vector<16xf32>
      %select_n3A_378 = arith.select %gt3A_377, %get3A_376, %select_n3A_369 : vector<16xi1>, vector<16xf32>
      %broadcast_in_dim3A_379 = arith.constant 41 : i32
      %broadcast_in_dim3A_380 = vector.broadcast %broadcast_in_dim3A_379 : i32 to vector<16xi32>
      %select_n3A_381 = arith.select %gt3A_377, %broadcast_in_dim3A_380, %select_n3A_372 : vector<16xi1>, vector<16xi32>
      %get3A_382 = arith.constant 42 : i32
      %get3A_383 = arith.index_cast %get3A_382 : i32 to index
      %get3A_384 = arith.index_cast %mul3A_10 : i32 to index
      %get3A_385 = tpu.vector_load %arg4[%get3A_383, %get3A_384] {strides = array<i32>} : memref<64x256xf32, #tpu.memory_space<vmem>>, vector<16xf32>,
      %gt3A_386 = arith.cmpf ogt, %get3A_385, %select_n3A_378 : vector<16xf32>
      %select_n3A_387 = arith.select %gt3A_386, %get3A_385, %select_n3A_378 : vector<16xi1>, vector<16xf32>
      %broadcast_in_dim3A_388 = arith.constant 42 : i32
      %broadcast_in_dim3A_389 = vector.broadcast %broadcast_in_dim3A_388 : i32 to vector<16xi32>
      %select_n3A_390 = arith.select %gt3A_386, %broadcast_in_dim3A_389, %select_n3A_381 : vector<16xi1>, vector<16xi32>
      %get3A_391 = arith.constant 43 : i32
      %get3A_392 = arith.index_cast %get3A_391 : i32 to index
      %get3A_393 = arith.index_cast %mul3A_10 : i32 to index
      %get3A_394 = tpu.vector_load %arg4[%get3A_392, %get3A_393] {strides = array<i32>} : memref<64x256xf32, #tpu.memory_space<vmem>>, vector<16xf32>,
      %gt3A_395 = arith.cmpf ogt, %get3A_394, %select_n3A_387 : vector<16xf32>
      %select_n3A_396 = arith.select %gt3A_395, %get3A_394, %select_n3A_387 : vector<16xi1>, vector<16xf32>
      %broadcast_in_dim3A_397 = arith.constant 43 : i32
      %broadcast_in_dim3A_398 = vector.broadcast %broadcast_in_dim3A_397 : i32 to vector<16xi32>
      %select_n3A_399 = arith.select %gt3A_395, %broadcast_in_dim3A_398, %select_n3A_390 : vector<16xi1>, vector<16xi32>
      %get3A_400 = arith.constant 44 : i32
      %get3A_401 = arith.index_cast %get3A_400 : i32 to index
      %get3A_402 = arith.index_cast %mul3A_10 : i32 to index
      %get3A_403 = tpu.vector_load %arg4[%get3A_401, %get3A_402] {strides = array<i32>} : memref<64x256xf32, #tpu.memory_space<vmem>>, vector<16xf32>,
      %gt3A_404 = arith.cmpf ogt, %get3A_403, %select_n3A_396 : vector<16xf32>
      %select_n3A_405 = arith.select %gt3A_404, %get3A_403, %select_n3A_396 : vector<16xi1>, vector<16xf32>
      %broadcast_in_dim3A_406 = arith.constant 44 : i32
      %broadcast_in_dim3A_407 = vector.broadcast %broadcast_in_dim3A_406 : i32 to vector<16xi32>
      %select_n3A_408 = arith.select %gt3A_404, %broadcast_in_dim3A_407, %select_n3A_399 : vector<16xi1>, vector<16xi32>
      %get3A_409 = arith.constant 45 : i32
      %get3A_410 = arith.index_cast %get3A_409 : i32 to index
      %get3A_411 = arith.index_cast %mul3A_10 : i32 to index
      %get3A_412 = tpu.vector_load %arg4[%get3A_410, %get3A_411] {strides = array<i32>} : memref<64x256xf32, #tpu.memory_space<vmem>>, vector<16xf32>,
      %gt3A_413 = arith.cmpf ogt, %get3A_412, %select_n3A_405 : vector<16xf32>
      %select_n3A_414 = arith.select %gt3A_413, %get3A_412, %select_n3A_405 : vector<16xi1>, vector<16xf32>
      %broadcast_in_dim3A_415 = arith.constant 45 : i32
      %broadcast_in_dim3A_416 = vector.broadcast %broadcast_in_dim3A_415 : i32 to vector<16xi32>
      %select_n3A_417 = arith.select %gt3A_413, %broadcast_in_dim3A_416, %select_n3A_408 : vector<16xi1>, vector<16xi32>
      %get3A_418 = arith.constant 46 : i32
      %get3A_419 = arith.index_cast %get3A_418 : i32 to index
      %get3A_420 = arith.index_cast %mul3A_10 : i32 to index
      %get3A_421 = tpu.vector_load %arg4[%get3A_419, %get3A_420] {strides = array<i32>} : memref<64x256xf32, #tpu.memory_space<vmem>>, vector<16xf32>,
      %gt3A_422 = arith.cmpf ogt, %get3A_421, %select_n3A_414 : vector<16xf32>
      %select_n3A_423 = arith.select %gt3A_422, %get3A_421, %select_n3A_414 : vector<16xi1>, vector<16xf32>
      %broadcast_in_dim3A_424 = arith.constant 46 : i32
      %broadcast_in_dim3A_425 = vector.broadcast %broadcast_in_dim3A_424 : i32 to vector<16xi32>
      %select_n3A_426 = arith.select %gt3A_422, %broadcast_in_dim3A_425, %select_n3A_417 : vector<16xi1>, vector<16xi32>
      %get3A_427 = arith.constant 47 : i32
      %get3A_428 = arith.index_cast %get3A_427 : i32 to index
      %get3A_429 = arith.index_cast %mul3A_10 : i32 to index
      %get3A_430 = tpu.vector_load %arg4[%get3A_428, %get3A_429] {strides = array<i32>} : memref<64x256xf32, #tpu.memory_space<vmem>>, vector<16xf32>,
      %gt3A_431 = arith.cmpf ogt, %get3A_430, %select_n3A_423 : vector<16xf32>
      %select_n3A_432 = arith.select %gt3A_431, %get3A_430, %select_n3A_423 : vector<16xi1>, vector<16xf32>
      %broadcast_in_dim3A_433 = arith.constant 47 : i32
      %broadcast_in_dim3A_434 = vector.broadcast %broadcast_in_dim3A_433 : i32 to vector<16xi32>
      %select_n3A_435 = arith.select %gt3A_431, %broadcast_in_dim3A_434, %select_n3A_426 : vector<16xi1>, vector<16xi32>
      %get3A_436 = arith.constant 48 : i32
      %get3A_437 = arith.index_cast %get3A_436 : i32 to index
      %get3A_438 = arith.index_cast %mul3A_10 : i32 to index
      %get3A_439 = tpu.vector_load %arg4[%get3A_437, %get3A_438] {strides = array<i32>} : memref<64x256xf32, #tpu.memory_space<vmem>>, vector<16xf32>,
      %gt3A_440 = arith.cmpf ogt, %get3A_439, %select_n3A_432 : vector<16xf32>
      %select_n3A_441 = arith.select %gt3A_440, %get3A_439, %select_n3A_432 : vector<16xi1>, vector<16xf32>
      %broadcast_in_dim3A_442 = arith.constant 48 : i32
      %broadcast_in_dim3A_443 = vector.broadcast %broadcast_in_dim3A_442 : i32 to vector<16xi32>
      %select_n3A_444 = arith.select %gt3A_440, %broadcast_in_dim3A_443, %select_n3A_435 : vector<16xi1>, vector<16xi32>
      %get3A_445 = arith.constant 49 : i32
      %get3A_446 = arith.index_cast %get3A_445 : i32 to index
      %get3A_447 = arith.index_cast %mul3A_10 : i32 to index
      %get3A_448 = tpu.vector_load %arg4[%get3A_446, %get3A_447] {strides = array<i32>} : memref<64x256xf32, #tpu.memory_space<vmem>>, vector<16xf32>,
      %gt3A_449 = arith.cmpf ogt, %get3A_448, %select_n3A_441 : vector<16xf32>
      %select_n3A_450 = arith.select %gt3A_449, %get3A_448, %select_n3A_441 : vector<16xi1>, vector<16xf32>
      %broadcast_in_dim3A_451 = arith.constant 49 : i32
      %broadcast_in_dim3A_452 = vector.broadcast %broadcast_in_dim3A_451 : i32 to vector<16xi32>
      %select_n3A_453 = arith.select %gt3A_449, %broadcast_in_dim3A_452, %select_n3A_444 : vector<16xi1>, vector<16xi32>
      %get3A_454 = arith.constant 50 : i32
      %get3A_455 = arith.index_cast %get3A_454 : i32 to index
      %get3A_456 = arith.index_cast %mul3A_10 : i32 to index
      %get3A_457 = tpu.vector_load %arg4[%get3A_455, %get3A_456] {strides = array<i32>} : memref<64x256xf32, #tpu.memory_space<vmem>>, vector<16xf32>,
      %gt3A_458 = arith.cmpf ogt, %get3A_457, %select_n3A_450 : vector<16xf32>
      %select_n3A_459 = arith.select %gt3A_458, %get3A_457, %select_n3A_450 : vector<16xi1>, vector<16xf32>
      %broadcast_in_dim3A_460 = arith.constant 50 : i32
      %broadcast_in_dim3A_461 = vector.broadcast %broadcast_in_dim3A_460 : i32 to vector<16xi32>
      %select_n3A_462 = arith.select %gt3A_458, %broadcast_in_dim3A_461, %select_n3A_453 : vector<16xi1>, vector<16xi32>
      %get3A_463 = arith.constant 51 : i32
      %get3A_464 = arith.index_cast %get3A_463 : i32 to index
      %get3A_465 = arith.index_cast %mul3A_10 : i32 to index
      %get3A_466 = tpu.vector_load %arg4[%get3A_464, %get3A_465] {strides = array<i32>} : memref<64x256xf32, #tpu.memory_space<vmem>>, vector<16xf32>,
      %gt3A_467 = arith.cmpf ogt, %get3A_466, %select_n3A_459 : vector<16xf32>
      %select_n3A_468 = arith.select %gt3A_467, %get3A_466, %select_n3A_459 : vector<16xi1>, vector<16xf32>
      %broadcast_in_dim3A_469 = arith.constant 51 : i32
      %broadcast_in_dim3A_470 = vector.broadcast %broadcast_in_dim3A_469 : i32 to vector<16xi32>
      %select_n3A_471 = arith.select %gt3A_467, %broadcast_in_dim3A_470, %select_n3A_462 : vector<16xi1>, vector<16xi32>
      %get3A_472 = arith.constant 52 : i32
      %get3A_473 = arith.index_cast %get3A_472 : i32 to index
      %get3A_474 = arith.index_cast %mul3A_10 : i32 to index
      %get3A_475 = tpu.vector_load %arg4[%get3A_473, %get3A_474] {strides = array<i32>} : memref<64x256xf32, #tpu.memory_space<vmem>>, vector<16xf32>,
      %gt3A_476 = arith.cmpf ogt, %get3A_475, %select_n3A_468 : vector<16xf32>
      %select_n3A_477 = arith.select %gt3A_476, %get3A_475, %select_n3A_468 : vector<16xi1>, vector<16xf32>
      %broadcast_in_dim3A_478 = arith.constant 52 : i32
      %broadcast_in_dim3A_479 = vector.broadcast %broadcast_in_dim3A_478 : i32 to vector<16xi32>
      %select_n3A_480 = arith.select %gt3A_476, %broadcast_in_dim3A_479, %select_n3A_471 : vector<16xi1>, vector<16xi32>
      %get3A_481 = arith.constant 53 : i32
      %get3A_482 = arith.index_cast %get3A_481 : i32 to index
      %get3A_483 = arith.index_cast %mul3A_10 : i32 to index
      %get3A_484 = tpu.vector_load %arg4[%get3A_482, %get3A_483] {strides = array<i32>} : memref<64x256xf32, #tpu.memory_space<vmem>>, vector<16xf32>,
      %gt3A_485 = arith.cmpf ogt, %get3A_484, %select_n3A_477 : vector<16xf32>
      %select_n3A_486 = arith.select %gt3A_485, %get3A_484, %select_n3A_477 : vector<16xi1>, vector<16xf32>
      %broadcast_in_dim3A_487 = arith.constant 53 : i32
      %broadcast_in_dim3A_488 = vector.broadcast %broadcast_in_dim3A_487 : i32 to vector<16xi32>
      %select_n3A_489 = arith.select %gt3A_485, %broadcast_in_dim3A_488, %select_n3A_480 : vector<16xi1>, vector<16xi32>
      %get3A_490 = arith.constant 54 : i32
      %get3A_491 = arith.index_cast %get3A_490 : i32 to index
      %get3A_492 = arith.index_cast %mul3A_10 : i32 to index
      %get3A_493 = tpu.vector_load %arg4[%get3A_491, %get3A_492] {strides = array<i32>} : memref<64x256xf32, #tpu.memory_space<vmem>>, vector<16xf32>,
      %gt3A_494 = arith.cmpf ogt, %get3A_493, %select_n3A_486 : vector<16xf32>
      %select_n3A_495 = arith.select %gt3A_494, %get3A_493, %select_n3A_486 : vector<16xi1>, vector<16xf32>
      %broadcast_in_dim3A_496 = arith.constant 54 : i32
      %broadcast_in_dim3A_497 = vector.broadcast %broadcast_in_dim3A_496 : i32 to vector<16xi32>
      %select_n3A_498 = arith.select %gt3A_494, %broadcast_in_dim3A_497, %select_n3A_489 : vector<16xi1>, vector<16xi32>
      %get3A_499 = arith.constant 55 : i32
      %get3A_500 = arith.index_cast %get3A_499 : i32 to index
      %get3A_501 = arith.index_cast %mul3A_10 : i32 to index
      %get3A_502 = tpu.vector_load %arg4[%get3A_500, %get3A_501] {strides = array<i32>} : memref<64x256xf32, #tpu.memory_space<vmem>>, vector<16xf32>,
      %gt3A_503 = arith.cmpf ogt, %get3A_502, %select_n3A_495 : vector<16xf32>
      %select_n3A_504 = arith.select %gt3A_503, %get3A_502, %select_n3A_495 : vector<16xi1>, vector<16xf32>
      %broadcast_in_dim3A_505 = arith.constant 55 : i32
      %broadcast_in_dim3A_506 = vector.broadcast %broadcast_in_dim3A_505 : i32 to vector<16xi32>
      %select_n3A_507 = arith.select %gt3A_503, %broadcast_in_dim3A_506, %select_n3A_498 : vector<16xi1>, vector<16xi32>
      %get3A_508 = arith.constant 56 : i32
      %get3A_509 = arith.index_cast %get3A_508 : i32 to index
      %get3A_510 = arith.index_cast %mul3A_10 : i32 to index
      %get3A_511 = tpu.vector_load %arg4[%get3A_509, %get3A_510] {strides = array<i32>} : memref<64x256xf32, #tpu.memory_space<vmem>>, vector<16xf32>,
      %gt3A_512 = arith.cmpf ogt, %get3A_511, %select_n3A_504 : vector<16xf32>
      %select_n3A_513 = arith.select %gt3A_512, %get3A_511, %select_n3A_504 : vector<16xi1>, vector<16xf32>
      %broadcast_in_dim3A_514 = arith.constant 56 : i32
      %broadcast_in_dim3A_515 = vector.broadcast %broadcast_in_dim3A_514 : i32 to vector<16xi32>
      %select_n3A_516 = arith.select %gt3A_512, %broadcast_in_dim3A_515, %select_n3A_507 : vector<16xi1>, vector<16xi32>
      %get3A_517 = arith.constant 57 : i32
      %get3A_518 = arith.index_cast %get3A_517 : i32 to index
      %get3A_519 = arith.index_cast %mul3A_10 : i32 to index
      %get3A_520 = tpu.vector_load %arg4[%get3A_518, %get3A_519] {strides = array<i32>} : memref<64x256xf32, #tpu.memory_space<vmem>>, vector<16xf32>,
      %gt3A_521 = arith.cmpf ogt, %get3A_520, %select_n3A_513 : vector<16xf32>
      %select_n3A_522 = arith.select %gt3A_521, %get3A_520, %select_n3A_513 : vector<16xi1>, vector<16xf32>
      %broadcast_in_dim3A_523 = arith.constant 57 : i32
      %broadcast_in_dim3A_524 = vector.broadcast %broadcast_in_dim3A_523 : i32 to vector<16xi32>
      %select_n3A_525 = arith.select %gt3A_521, %broadcast_in_dim3A_524, %select_n3A_516 : vector<16xi1>, vector<16xi32>
      %get3A_526 = arith.constant 58 : i32
      %get3A_527 = arith.index_cast %get3A_526 : i32 to index
      %get3A_528 = arith.index_cast %mul3A_10 : i32 to index
      %get3A_529 = tpu.vector_load %arg4[%get3A_527, %get3A_528] {strides = array<i32>} : memref<64x256xf32, #tpu.memory_space<vmem>>, vector<16xf32>,
      %gt3A_530 = arith.cmpf ogt, %get3A_529, %select_n3A_522 : vector<16xf32>
      %select_n3A_531 = arith.select %gt3A_530, %get3A_529, %select_n3A_522 : vector<16xi1>, vector<16xf32>
      %broadcast_in_dim3A_532 = arith.constant 58 : i32
      %broadcast_in_dim3A_533 = vector.broadcast %broadcast_in_dim3A_532 : i32 to vector<16xi32>
      %select_n3A_534 = arith.select %gt3A_530, %broadcast_in_dim3A_533, %select_n3A_525 : vector<16xi1>, vector<16xi32>
      %get3A_535 = arith.constant 59 : i32
      %get3A_536 = arith.index_cast %get3A_535 : i32 to index
      %get3A_537 = arith.index_cast %mul3A_10 : i32 to index
      %get3A_538 = tpu.vector_load %arg4[%get3A_536, %get3A_537] {strides = array<i32>} : memref<64x256xf32, #tpu.memory_space<vmem>>, vector<16xf32>,
      %gt3A_539 = arith.cmpf ogt, %get3A_538, %select_n3A_531 : vector<16xf32>
      %select_n3A_540 = arith.select %gt3A_539, %get3A_538, %select_n3A_531 : vector<16xi1>, vector<16xf32>
      %broadcast_in_dim3A_541 = arith.constant 59 : i32
      %broadcast_in_dim3A_542 = vector.broadcast %broadcast_in_dim3A_541 : i32 to vector<16xi32>
      %select_n3A_543 = arith.select %gt3A_539, %broadcast_in_dim3A_542, %select_n3A_534 : vector<16xi1>, vector<16xi32>
      %get3A_544 = arith.constant 60 : i32
      %get3A_545 = arith.index_cast %get3A_544 : i32 to index
      %get3A_546 = arith.index_cast %mul3A_10 : i32 to index
      %get3A_547 = tpu.vector_load %arg4[%get3A_545, %get3A_546] {strides = array<i32>} : memref<64x256xf32, #tpu.memory_space<vmem>>, vector<16xf32>,
      %gt3A_548 = arith.cmpf ogt, %get3A_547, %select_n3A_540 : vector<16xf32>
      %select_n3A_549 = arith.select %gt3A_548, %get3A_547, %select_n3A_540 : vector<16xi1>, vector<16xf32>
      %broadcast_in_dim3A_550 = arith.constant 60 : i32
      %broadcast_in_dim3A_551 = vector.broadcast %broadcast_in_dim3A_550 : i32 to vector<16xi32>
      %select_n3A_552 = arith.select %gt3A_548, %broadcast_in_dim3A_551, %select_n3A_543 : vector<16xi1>, vector<16xi32>
      %get3A_553 = arith.constant 61 : i32
      %get3A_554 = arith.index_cast %get3A_553 : i32 to index
      %get3A_555 = arith.index_cast %mul3A_10 : i32 to index
      %get3A_556 = tpu.vector_load %arg4[%get3A_554, %get3A_555] {strides = array<i32>} : memref<64x256xf32, #tpu.memory_space<vmem>>, vector<16xf32>,
      %gt3A_557 = arith.cmpf ogt, %get3A_556, %select_n3A_549 : vector<16xf32>
      %select_n3A_558 = arith.select %gt3A_557, %get3A_556, %select_n3A_549 : vector<16xi1>, vector<16xf32>
      %broadcast_in_dim3A_559 = arith.constant 61 : i32
      %broadcast_in_dim3A_560 = vector.broadcast %broadcast_in_dim3A_559 : i32 to vector<16xi32>
      %select_n3A_561 = arith.select %gt3A_557, %broadcast_in_dim3A_560, %select_n3A_552 : vector<16xi1>, vector<16xi32>
      %get3A_562 = arith.constant 62 : i32
      %get3A_563 = arith.index_cast %get3A_562 : i32 to index
      %get3A_564 = arith.index_cast %mul3A_10 : i32 to index
      %get3A_565 = tpu.vector_load %arg4[%get3A_563, %get3A_564] {strides = array<i32>} : memref<64x256xf32, #tpu.memory_space<vmem>>, vector<16xf32>,
      %gt3A_566 = arith.cmpf ogt, %get3A_565, %select_n3A_558 : vector<16xf32>
      %select_n3A_567 = arith.select %gt3A_566, %get3A_565, %select_n3A_558 : vector<16xi1>, vector<16xf32>
      %broadcast_in_dim3A_568 = arith.constant 62 : i32
      %broadcast_in_dim3A_569 = vector.broadcast %broadcast_in_dim3A_568 : i32 to vector<16xi32>
      %select_n3A_570 = arith.select %gt3A_566, %broadcast_in_dim3A_569, %select_n3A_561 : vector<16xi1>, vector<16xi32>
      %get3A_571 = arith.constant 63 : i32
      %get3A_572 = arith.index_cast %get3A_571 : i32 to index
      %get3A_573 = arith.index_cast %mul3A_10 : i32 to index
      %get3A_574 = tpu.vector_load %arg4[%get3A_572, %get3A_573] {strides = array<i32>} : memref<64x256xf32, #tpu.memory_space<vmem>>, vector<16xf32>,
      %gt3A_575 = arith.cmpf ogt, %get3A_574, %select_n3A_567 : vector<16xf32>
      %select_n3A_576 = arith.select %gt3A_575, %get3A_574, %select_n3A_567 : vector<16xi1>, vector<16xf32>
      %broadcast_in_dim3A_577 = arith.constant 63 : i32
      %broadcast_in_dim3A_578 = vector.broadcast %broadcast_in_dim3A_577 : i32 to vector<16xi32>
      %select_n3A_579 = arith.select %gt3A_575, %broadcast_in_dim3A_578, %select_n3A_570 : vector<16xi1>, vector<16xi32>
      %swap3A = arith.index_cast %mul3A_10 : i32 to index
      %swap3A_580 = tpu.vector_load %arg5[%swap3A] {strides = array<i32>} : memref<256xi32, #tpu.memory_space<vmem>>, vector<16xi32>,
      tpu.vector_store %arg5[%swap3A], %select_n3A_579 {strides = array<i32>} : memref<256xi32, #tpu.memory_space<vmem>>, vector<16xi32>,
    }
    %scan3A_7 = arith.constant 16 : i32
    "tpu.region"() ({
      %run_scoped3A = tpu.sem_alloc : memref<!tpu.dma_semaphore, #tpu.memory_space<semaphore_mem>>
      %dma_start3A = tpu.memref_slice %arg3[%mul3A_2] : memref<8192xi32, #tpu.memory_space<hbm>> -> memref<256xi32, #tpu.memory_space<hbm>>
      %dma_start3A_8 = tpu.memref_slice %arg3[%mul3A_2] : memref<8192xi32, #tpu.memory_space<hbm>> -> memref<256xi32, #tpu.memory_space<hbm>>
      tpu.enqueue_dma source(%arg5 : memref<256xi32, #tpu.memory_space<vmem>>) target(%dma_start3A_8 : memref<256xi32, #tpu.memory_space<hbm>>) target_semaphore(%run_scoped3A : memref<!tpu.dma_semaphore, #tpu.memory_space<semaphore_mem>>)
      %dma_wait3A = tpu.memref_slice %arg3[%mul3A_2] : memref<8192xi32, #tpu.memory_space<hbm>> -> memref<256xi32, #tpu.memory_space<hbm>>
      %dma_wait3A_9 = tpu.memref_slice %arg3[%mul3A_2] : memref<8192xi32, #tpu.memory_space<hbm>> -> memref<256xi32, #tpu.memory_space<hbm>>
      tpu.wait_dma2 semaphore(%run_scoped3A : memref<!tpu.dma_semaphore, #tpu.memory_space<semaphore_mem>>) src(%arg5 : memref<256xi32, #tpu.memory_space<vmem>>) dst(%dma_wait3A_9 : memref<256xi32, #tpu.memory_space<hbm>>)
      tpu.yield
    }) : () -> ()
    return
  }
}

module attributes {stable_mosaic.version = 14 : i64} {
  func.func @_tc_body(%arg0: i32, %arg1: memref<64x512xf32, #tpu.memory_space<vmem>>, %arg2: memref<4096xf32, #tpu.memory_space<vmem>>, %arg3: memref<512x4096xf32, #tpu.memory_space<vmem>>) attributes {dimension_semantics = [#tpu.dimension_semantics<arbitrary>], iteration_bounds = array<i64: 16>, scalar_prefetch = 0 : i64, scratch_operands = 0 : i64, tpu.core_type = #tpu.core_type<tc>, window_params = [{transform_indices = @transform_0, window_bounds = array<i64: 64, 512>}, {pipeline_mode = #tpu.pipeline_mode<synchronous>, transform_indices = @transform_1, window_bounds = array<i64: 4096>}, {transform_indices = @transform_2, window_bounds = array<i64: 512, 4096>}]} {
    %get3A = arith.constant 0 : index
    %get3A_0 = arith.constant 0 : index
    %get3A_1 = vector.load %arg1[%get3A, %get3A_0] : memref<64x512xf32, #tpu.memory_space<vmem>>, vector<64x512xf32>
    %reduce_max3A = arith.constant dense<0xFF800000> : vector<512xf32>
    %reduce_max3A_2 = vector.multi_reduction <maximumf>, %get3A_1, %reduce_max3A [0] : vector<64x512xf32> to vector<512xf32>
    %broadcast_in_dim3A = vector.shape_cast %reduce_max3A_2 : vector<512xf32> to vector<1x512xf32>
    %abs3A = math.absf %get3A_1 : vector<64x512xf32>
    %max3A = vector.broadcast %broadcast_in_dim3A : vector<1x512xf32> to vector<64x512xf32>
    %max3A_3 = arith.maximumf %abs3A, %max3A : vector<64x512xf32>
    %sub3A = vector.broadcast %broadcast_in_dim3A : vector<1x512xf32> to vector<64x512xf32>
    %sub3A_4 = arith.subf %sub3A, %get3A_1 : vector<64x512xf32>
    %div3A = arith.divf %sub3A_4, %max3A_3 : vector<64x512xf32>
    %gt3A = arith.constant 2.000000e-01 : f32
    %gt3A_5 = vector.broadcast %gt3A : f32 to vector<64x512xf32>
    %gt3A_6 = arith.cmpf ogt, %div3A, %gt3A_5 : vector<64x512xf32>
    %sub3A_7 = vector.broadcast %broadcast_in_dim3A : vector<1x512xf32> to vector<64x512xf32>
    %sub3A_8 = arith.subf %get3A_1, %sub3A_7 : vector<64x512xf32>
    %exp3A = math.exp %sub3A_8 : vector<64x512xf32>
    %jit3A = arith.constant 0.000000e+00 : f32
    %broadcast_in_dim3A_9 = vector.broadcast %jit3A : f32 to vector<64x512xf32>
    %select_n3A = arith.select %gt3A_6, %broadcast_in_dim3A_9, %exp3A : vector<64x512xi1>, vector<64x512xf32>
    %reduce_sum3A = arith.constant dense<0.000000e+00> : vector<512xf32>
    %reduce_sum3A_10 = vector.multi_reduction <add>, %select_n3A, %reduce_sum3A [0] : vector<64x512xf32> to vector<512xf32>
    %broadcast_in_dim3A_11 = vector.shape_cast %reduce_sum3A_10 : vector<512xf32> to vector<1x512xf32>
    %div3A_12 = arith.constant 1.000000e+00 : f32
    %div3A_13 = vector.broadcast %div3A_12 : f32 to vector<1x512xf32>
    %div3A_14 = arith.divf %div3A_13, %broadcast_in_dim3A_11 : vector<1x512xf32>
    %reshape3A = vector.shape_cast %div3A_14 : vector<1x512xf32> to vector<512x1xf32>
    %get3A_15 = arith.constant 0 : index
    %get3A_16 = vector.load %arg2[%get3A_15] : memref<4096xf32, #tpu.memory_space<vmem>>, vector<4096xf32>
    %broadcast_in_dim3A_17 = vector.shape_cast %get3A_16 : vector<4096xf32> to vector<1x4096xf32>
    %mul3A = vector.broadcast %reshape3A : vector<512x1xf32> to vector<512x4096xf32>
    %mul3A_18 = vector.broadcast %broadcast_in_dim3A_17 : vector<1x4096xf32> to vector<512x4096xf32>
    %mul3A_19 = arith.mulf %mul3A, %mul3A_18 : vector<512x4096xf32>
    %swap3A = arith.constant 0 : index
    %swap3A_20 = arith.constant 0 : index
    %swap3A_21 = vector.load %arg3[%swap3A, %swap3A_20] : memref<512x4096xf32, #tpu.memory_space<vmem>>, vector<512x4096xf32>
    tpu.vector_store %arg3[%swap3A, %swap3A_20], %mul3A_19 {strides = array<i32>} : memref<512x4096xf32, #tpu.memory_space<vmem>>, vector<512x4096xf32>,
    return
  }
  func.func @transform_0(%arg0: i32) -> (i32, i32) {
    %c0_i32 = arith.constant 0 : i32
    %c0_i32_0 = arith.constant 0 : i32
    return %c0_i32, %arg0 : i32, i32
  }
  func.func @transform_1(%arg0: i32) -> i32 {
    %c0_i32 = arith.constant 0 : i32
    %c0_i32_0 = arith.constant 0 : i32
    return %c0_i32 : i32
  }
  func.func @transform_2(%arg0: i32) -> (i32, i32) {
    %c0_i32 = arith.constant 0 : i32
    %c0_i32_0 = arith.constant 0 : i32
    return %arg0, %c0_i32 : i32, i32
  }
}

</mosaic_0001>

<sc_bundles>
// kernel: kernel.4.cloned.1.call-start
scs
__scs_entry_jumppad:
0x0: {  	(pc) =	sbr.rel $0x88, $3  }
0x1: {  	(tag) =	ssettag $0x0;
	lr =	simm.s32 $0x1  }
0x2: {  	[smem:$0x3F9F] =	sst lr;
	_ =	strace $0xD0000000  }
0x3: {  	_ = 	snop  }
0x4: {  	_ = 	snop  }
0x5: {  	_ = 	snop  }
0x6: {  	_ = 	snop  }
0x7: {  	_ = 	snop  }
__scs_overlays_trampoline_lowered:
0x8: {  	[smem:$0x3FAE] =	sst s0  }
0x9: {  	[smem:$0x3FAF] =	sst s1  }
0xa: {  	[smem:$0x3FB0] =	sst s2  }
0xb: {  	[smem:$0x3FB1] =	sst s3  }
0xc: {  	[smem:$0x3FB2] =	sst s4  }
0xd: {  	[smem:$0x3FB3] =	sst s5  }
0xe: {  	[smem:$0x3FB4] =	sst s6  }
0xf: {  	[smem:$0x3FB5] =	sst s7  }
0x10: {  	[smem:$0x3FB6] =	sst s8  }
0x11: {  	[smem:$0x3FB7] =	sst s9;
	s0 =	simm.s32 @!p0 $0x0  }
0x12: {  	s1 =	sld [smem:$0x3F9D];
	s0 =	simm.s32 @p0 $0x1  }
0x13: {  	[smem:$0x3FB8] =	sst s0;
	s0 =	simm.s32 @!p1 $0x0  }
0x14: {  	s2 =	sld [smem:$0x3F9C];
	s0 =	simm.s32 @p1 $0x1  }
0x15: {  	[smem:$0x3FB9] =	sst s0;
	s0 =	simm.s32 @!p2 $0x0  }
0x16: {  	s3 =	sld [smem:$0x3FDB];
	s0 =	simm.s32 @p2 $0x1  }
0x17: {  	s4 =	simm.s32 $0x1BF5;
	[smem:$0x3FBB] =	sst s0  }
0x18: {  	s0 =	sld [smem:$0x3F9E];
	_ =	swait.ge [sflag:s4], $0x0  }
0x19: {  	s7 =	sld [smem:$0x3F9F]  }
0x1a: {  	s8 =	sadd.s32 $0xFFFFE003, lr  }
0x1b: {  	s9 =	sadd.s32 $0xFFFFFEF7, lr;
	s5 =	simm.s32 $0xFFFFFFFF;
	p2 =	slt.u32 s8, $0xFFFFF086  }
0x1c: {  	p1 =	slt.u32 s9, $0xF7A;
	s5 =	simm.s32 @!p2 $0x0  }
0x1d: {  	s5 =	simm.s32 @p1 $0x1;
	p0 =	seq.s32 s7, s2  }
0x1e: {  	s7 =	smul.u32 @!p0 $0xF7A, s2;
	p2 =	seq.s32 @!p0 s5, $0x0  }
0x1f: {  	s9 =	smul.u32 $0xF7A, s1;
	s8 =	simm.s32 @!p0 $0x1BF5;
	p2 =	por !p2, p0  }
0x20: {  	[sflag:s8] =	ssyncset.s32 @!p0 $0xFFFFF086;
	s6 =	sadd.s32 @!p0 s3, s7;
	s7 =	simm.s32 @!p0 $0x108  }
0x21: {  	s3 =	sadd.s32 s3, s9;
	s6 =	sadd.s32 @!p0 $0x88, s6;
	s7 =	simm.s32 @p2 $0x1082  }
0x22: {  	[simem:s7], [sflag:s8] =	dma.local @!p0 [hbm:s6], $0xF7A  }
0x23: {  	s9 =	sor.u32 $0xD0000000, s2;
	s6 =	simm.s32 $0x108;
	_ =	swait.ge @!p0 [sflag:s8], $0x0  }
0x24: {  	s3 =	sadd.s32 $0x88, s3;
	s6 =	simm.s32 @!p1 $0x1082;
	[sflag:s4] =	ssyncset.s32 $0xFFFFF086  }
0x25: {  	[simem:s6], [sflag:s4] =	dma.local [hbm:s3], $0xF7A  }
0x26: {  	[smem:$0x3F9F] =	sst s1;
	(tag) =	ssettag s2;
	_ =	strace s9  }
0x27: {  	s1 =	sld [smem:$0x3FAF]  }
0x28: {  	s2 =	sld [smem:$0x3FB0]  }
0x29: {  	s4 =	sld [smem:$0x3FB2]  }
0x2a: {  	p0 =	seq.s32 s5, $0x0;
	s5 =	sld [smem:$0x3FB3]  }
0x2b: {  	s6 =	sld [smem:$0x3FB4]  }
0x2c: {  	s7 =	sld [smem:$0x3FB5]  }
0x2d: {  	s3 =	simm.s32 $0x108;
	s8 =	sld [smem:$0x3FB6]  }
0x2e: {  	s3 =	simm.s32 @!p0 $0x1082;
	s9 =	sld [smem:$0x3FB7]  }
0x2f: {  	lr =	sadd.s32 s0, s3;
	s0 =	sld [smem:$0x3FAE]  }
0x30: {  	s3 =	sld [smem:$0x3FB1]  }
0x31: {  	[smem:$0x3FBA] =	sst s10  }
0x32: {  	s10 =	sld [smem:$0x3FB8];
	_ =	sdelay $0x3  }
0x33: {  	p0 =	seq.s32 s10, $0x1;
	s10 =	sld [smem:$0x3FBA];
	_ =	sdelay $0x3  }
0x34: {  	[smem:$0x3FBA] =	sst s10  }
0x35: {  	s10 =	sld [smem:$0x3FB9];
	_ =	sdelay $0x3  }
0x36: {  	p1 =	seq.s32 s10, $0x1;
	s10 =	sld [smem:$0x3FBA];
	_ =	sdelay $0x3  }
0x37: {  	[smem:$0x3FBA] =	sst s10  }
0x38: {  	s10 =	sld [smem:$0x3FBB]  }
0x39: {  	_ = 	snop;
	(pc) =	sbr.ind lr, $3  }
0x3a: {  	_ = 	snop  }
0x3b: {  	_ = 	snop  }
0x3c: {  	p2 =	seq.s32 s10, $0x1;
	s10 =	sld [smem:$0x3FBA]  }
0x3d: {  	_ =	shalt  }
0x3e: {  	_ =	shalt  }
0x3f: {  	_ =	shalt  }
0x40: {  	_ =	shalt  }
0x41: {  	_ =	shalt  }
0x42: {  	_ =	shalt  }
0x43: {  	_ =	shalt  }
0x44: {  	_ =	shalt  }
0x45: {  	_ =	shalt  }
0x46: {  	_ =	shalt  }
0x47: {  	_ =	shalt  }
0x48: {  	_ =	shalt  }
0x49: {  	_ =	shalt  }
0x4a: {  	_ =	shalt  }
0x4b: {  	_ =	shalt  }
0x4c: {  	_ =	shalt  }
0x4d: {  	_ =	shalt  }
0x4e: {  	_ =	shalt  }
0x4f: {  	_ =	shalt  }
0x50: {  	_ =	shalt  }
0x51: {  	_ =	shalt  }
0x52: {  	_ =	shalt  }
0x53: {  	_ =	shalt  }
0x54: {  	_ =	shalt  }
0x55: {  	_ =	shalt  }
0x56: {  	_ =	shalt  }
0x57: {  	_ =	shalt  }
0x58: {  	_ =	shalt  }
0x59: {  	_ =	shalt  }
0x5a: {  	_ =	shalt  }
0x5b: {  	_ =	shalt  }
0x5c: {  	_ =	shalt  }
0x5d: {  	_ =	shalt  }
0x5e: {  	_ =	shalt  }
0x5f: {  	_ =	shalt  }
0x60: {  	_ =	shalt  }
0x61: {  	_ =	shalt  }
0x62: {  	_ =	shalt  }
0x63: {  	_ =	shalt  }
0x64: {  	_ =	shalt  }
0x65: {  	_ =	shalt  }
0x66: {  	_ =	shalt  }
0x67: {  	_ =	shalt  }
0x68: {  	_ =	shalt  }
0x69: {  	_ =	shalt  }
0x6a: {  	_ =	shalt  }
0x6b: {  	_ =	shalt  }
0x6c: {  	_ =	shalt  }
0x6d: {  	_ =	shalt  }
0x6e: {  	_ =	shalt  }
0x6f: {  	_ =	shalt  }
0x70: {  	_ =	shalt  }
0x71: {  	_ =	shalt  }
0x72: {  	_ =	shalt  }
0x73: {  	_ =	shalt  }
0x74: {  	_ =	shalt  }
0x75: {  	_ =	shalt  }
0x76: {  	_ =	shalt  }
0x77: {  	_ =	shalt  }
0x78: {  	_ =	shalt  }
0x79: {  	_ =	shalt  }
0x7a: {  	_ =	shalt  }
0x7b: {  	_ =	shalt  }
0x7c: {  	_ =	shalt  }
0x7d: {  	_ =	shalt  }
0x7e: {  	_ =	shalt  }
0x7f: {  	_ =	shalt  }
0x80: {  	_ =	shalt  }
0x81: {  	_ =	shalt  }
0x82: {  	_ =	shalt  }
0x83: {  	_ =	shalt  }
0x84: {  	_ =	shalt  }
0x85: {  	_ =	shalt  }
0x86: {  	_ =	shalt  }
0x87: {  	_ =	shalt  }
.Lfunc_end0:
.L_simem_size_0:
called_computation_lowered:
.L_overlay_start_0:
0x88: {  	s2 =	sld [smem:$0x3FD9]  }
0x89: {  	s3 =	sld [smem:$0x3FFE];
	_ =	sdelay $0x1  }
0x8a: {  	s1 =	srdreg.scid  }
0x8b: {  	s0 =	sand.u32 $0x1, s1  }
0x8c: {  	s15 =	sshll.u32 s0, $0xA;
	s2 =	sadd.s32 s3, s2  }
0x8d: {  	s2 =	sadd.s32 s2, s15  }
0x8e: {  	[smem:$0x3FC6] =	sst s2  }
0x8f: {  	_ = 	snop  }
0x90: {  	s2 =	sld [smem:$0x3FD0];
	_ =	sdelay $0x2  }
0x91: {  	s4 =	simm.s32 $0xA;
	s5 =	simm.s32 $0x10;
	s16 =	sld [smem:$0x3FC9]  }
0x92: {  	[smem:s5], [sflag:s4] =	dma.local [hbm:s2], $0x1  }
0x93: {  	_ =	swait.eq [sflag:s4], $0x1  }
0x94: {  	[sflag:s4] =	ssyncset.done $0x0  }
0x95: {  	[sflag:s4] =	ssyncadd.s32 $0xFFFFFFFF  }
0x96: {  	s17 =	sld [smem:$0x10];
	(tm) =	ssettm $0x1  }
0x97: {  	s18 =	sld [smem:$0x3FFB];
	_ =	sdelay $0x3  }
0x98: {  	_ =	strace s18  }
0x99: {  	s4 =	sld [smem:$0x3FFC];
	_ =	sdelay $0x3  }
0x9a: {  	_ =	strace s4  }
0x9b: {  	s4 =	sld [smem:$0x3FFD];
	_ =	sdelay $0x3  }
0x9c: {  	_ =	strace s4  }
0x9d: {  	_ =	strace $0x8FFFFFFF  }
0x9e: {  	s19 =	sld [smem:$0x3FDB];
	_ =	sdelay $0x1  }
0x9f: {  	s20 =	simm.s32 $_scs_section_size  }
0xa0: {  	s6 =	simm.s32 $_size__tile_overlayer_lowered;
	s7 =	simm.s32 $_tile_overlayer_lowered  }
0xa1: {  	s23 =	simm.s32 $0x1BFF;
	s22 =	sshll.u32 s7, $0x1;
	s4 =	sadd.s32 s20, s19  }
0xa2: {  	s8 =	simm.s32 $0x0;
	s21 =	sshll.u32 s6, $0x1;
	s6 =	sadd.s32 s22, s4  }
0xa3: {  	[timem:s8], [sflag:s23] =	dma.local [hbm:s6], s21  }
0xa4: {  	_ =	swait.ge [sflag:s23], s21  }
0xa5: {  	s5 =	ssub.s32 $0x0, s21;
	[sflag:s23] =	ssyncset.done $0x0  }
0xa6: {  	[sflag:s23] =	ssyncadd.s32 s5;
	_ =	sdelay $0x1  }
0xa7: {  	s24 =	simm.s32 $0x1B8B  }
0xa8: {  	_ =	swait.ge [sflag:s24], $0x1  }
0xa9: {  	[sflag:s24] =	ssyncset.done $0x0  }
0xaa: {  	s25 =	simm.s32 $0x1B8E;
	[sflag:s24] =	ssyncadd.s32 $0xFFFFFFFF  }
0xab: {  	s26 =	simm.s32 $execute0_lowered;
	[smem:$0x3FD2] =	sst s25  }
0xac: {  	s5 =	sshll.u32 s26, $0x1;
	_ =	strace $0x80000046;
	[dreg:$0x1] =	wrdreg $0xFFFFFFFF  }
0xad: {  	s28 =	simm.s32 $_size_execute0_lowered;
	s4 =	sadd.s32 s4, s5;
	[dreg:$0x0] =	wrdreg $0x0  }
0xae: {  	s5 =	sshll.u32 s28, $0x1;
	[dreg:$0x2] =	wrdreg s4  }
0xaf: {  	[dreg:$0x3] =	wrdreg s5  }
0xb0: {  	[dreg:$0x4] =	wrdreg $0xC0  }
0xb1: {  	_ =	task [dreg:s8], $0x5FFFF  }
0xb2: {  	[dreg:$0x1] =	wrdreg $0xFFFFFFFF  }
0xb3: {  	[dreg:$0x0] =	wrdreg $0x60  }
0xb4: {  	[dreg:$0x2] =	wrdreg s16  }
0xb5: {  	[dreg:$0x3] =	wrdreg s17  }
0xb6: {  	[dreg:$0x4] =	wrdreg $0x9  }
0xb7: {  	_ =	task.clear_ibuf [dreg:s8], $0x5FFFF;
	_ =	strace $0x90000046  }
0xb8: {  	s29 =	simm.s32 $0x9;
	_ =	strace $0x80000048  }
0xb9: {  	_ =	swait.ge [sflag:s29], $0x1  }
0xba: {  	[sflag:s29] =	ssyncadd.s32 $0xFFFFFFFF  }
0xbb: {  	_ =	strace $0x90000048  }
0xbc: {  	_ =	sfence  }
0xbd: {  	s30 =	sld [smem:$0x0];
	_ =	sdelay $0x2  }
0xbe: {  	s31 =	sshll.u32 s1, $0xD;
	s1 =	sshrl.u32 s1, $0x2  }
0xbf: {  	s3 =	sand.u32 $0x4000, s31;
	s1 =	sadd.s32 s1, s30  }
0xc0: {  	s0 =	sor.u32 s3, s0;
	s1 =	sshll.u32 s1, $0x11  }
0xc1: {  	s0 =	sor.u32 s1, s0  }
0xc2: {  	s0 =	sadd.s32 $0x8F2B, s0  }
0xc3: {  	[sflag:s0] =	ssyncadd.remote.s32 $0x1  }
0xc4: {  	_ =	sfence.sel $0xFFFF  }
0xc5: {  	[dreg:$0x0] =	wrdreg $0xFFFFFFFF;
	(pc) =	sbr.abs _section_cstart, $3  }
0xc6: {  	[dreg:$0x1] =	wrdreg $0xFFFFFFFF  }
0xc7: {  	_ =	task.clear_ibuf [dreg:s8], $0x2FFFF;
	_ =	strace $0x9FFFFFFF  }
0xc8: {  	(tm) =	ssettm $0x7FFFFFFF  }
0xc9: {  	_ =	shalt  }
tec
execute0_lowered:
.L_overlay_start_1:
0x0: {  	(tag) =	ssettag $0x1  }
0x1: {  	s3 =	rddreg [dreg:$0x0]  }
0x2: {  	s4 =	rddreg [dreg:$0x1];
	s2 =	srdreg.scid  }
0x3: {  	s0 =	rddreg [dreg:$0x2];
	s1 =	stileid.u32;
	s9 =	simm.s32 $0x4000  }
0x4: {  	s10 =	simm.s32 $0x0;
	s5 =	sand.u32 $0x1, s2;
	s2 =	simm.s32 $0x0  }
0x5: {  	s6 =	sshll.u32 s1, $0x9;
	s7 =	sshll.u32 s5, $0x8;
	[smem:$0x7FF] =	sst s2  }
0x6: {  	s5 =	ssub.s32 $0x2, s5;
	s6 =	sor.u32 s7, s6;
	_ =	strace $0x80000047  }
0x7: {  	s31 =	sshrl.u32 s5, $0x1;
	s7 =	simm.s32 $0x10000;
	s8 =	sshrl.u32 s6, $0x3  }
0x8: {  	s5 =	ssub.s32 s5, s31;
	s3 =	sadd.s32 s3, s6;
	s6 =	simm.s32 $0x800  }
0x9: {  	v0 =	vimm.s32 $0x0;
	s4 =	sadd.s32 s4, s8;
	s5 =	smax.u32 s5, $0x1;
	s8 =	simm.s32 $0x1  }
.LBB2_1:
0xa: {  	[tilespmem:s2], [sflag:$0x1] =	stream.strided.gather [hbm4b:s3+s6], $0x4000, s7, s6, $0x38;
	[tilespmem:$0x4100] =	vst v63  }
0xb: {  	_ =	swait.ge [sflag:s8], $0x4000  }
0xc: {  	s11 =	sand.u32 $0x70, s2;
	s12 =	sand.u32 $0x400, s2;
	[sflag:s8] =	ssyncset.done $0x0  }
0xd: {  	s11 =	sor.u32 s11, s12;
	[sflag:s8] =	ssyncadd.s32 $0xFFFFC000  }
0xe: {  	v1 =	vld [tilespmem:s11+$0x80]  }
0xf: {  	v2 =	vld [tilespmem:s11+$0x0];
	_ =	sdelay $0x1  }
0x10: {  	v3 =	vld [tilespmem:s11+$0x100];
	_ =	sdelay $0x1  }
0x11: {  	v4 =	vld [tilespmem:s11+$0x180]  }
0x12: {  	vm0 =	vgt.f32 v1, v2  }
0x13: {  	v5 =	vld [tilespmem:s11+$0x200];
	v1 =	vsel vm0, v1, v2  }
0x14: {  	vm1 =	vgt.f32 v3, v1  }
0x15: {  	v2 =	vld [tilespmem:s11+$0x280];
	v1 =	vsel vm1, v3, v1  }
0x16: {  	vm2 =	vgt.f32 v4, v1  }
0x17: {  	v3 =	vld [tilespmem:s11+$0x300];
	v1 =	vsel vm2, v4, v1  }
0x18: {  	vm3 =	vgt.f32 v5, v1  }
0x19: {  	v4 =	vld [tilespmem:s11+$0x380];
	v1 =	vsel vm3, v5, v1  }
0x1a: {  	vm4 =	vgt.f32 v2, v1  }
0x1b: {  	v5 =	vld [tilespmem:s11+$0x800];
	v1 =	vsel vm4, v2, v1  }
0x1c: {  	vm5 =	vgt.f32 v3, v1  }
0x1d: {  	v2 =	vld [tilespmem:s11+$0x880];
	v1 =	vsel vm5, v3, v1  }
0x1e: {  	vm6 =	vgt.f32 v4, v1  }
0x1f: {  	v3 =	vld [tilespmem:s11+$0x900];
	v1 =	vsel vm6, v4, v1  }
0x20: {  	vm7 =	vgt.f32 v5, v1  }
0x21: {  	v4 =	vld [tilespmem:s11+$0x980];
	v1 =	vsel vm7, v5, v1  }
0x22: {  	vm8 =	vgt.f32 v2, v1  }
0x23: {  	v5 =	vld [tilespmem:s11+$0xA00];
	v1 =	vsel vm8, v2, v1  }
0x24: {  	vm9 =	vgt.f32 v3, v1  }
0x25: {  	v2 =	vld [tilespmem:s11+$0xA80];
	v1 =	vsel vm9, v3, v1  }
0x26: {  	v3 =	vimm.s32 $0x0;
	vm10 =	vgt.f32 v4, v1  }
0x27: {  	v3 =	vsel vm10, $0xFFFFFFFF, v3;
	v1 =	vsel vm10, v4, v1  }
0x28: {  	v4 =	vimm.s32 $0x0;
	[tilespmem:$0x1FEB0] =	vst v3;
	v3 =	vld [tilespmem:s11+$0xB00];
	vm10 =	vgt.f32 v5, v1  }
0x29: {  	v4 =	vsel vm10, $0xFFFFFFFF, v4;
	v1 =	vsel vm10, v5, v1  }
0x2a: {  	v5 =	vimm.s32 $0x0;
	[tilespmem:$0x1FEC0] =	vst v4;
	v4 =	vld [tilespmem:s11+$0xB80];
	vm10 =	vgt.f32 v2, v1  }
0x2b: {  	v5 =	vsel vm10, $0xFFFFFFFF, v5  }
0x2c: {  	v1 =	vsel vm10, v2, v1;
	[tilespmem:$0x1FED0] =	vst v5;
	v5 =	vld [tilespmem:s11+$0x1000]  }
0x2d: {  	v2 =	vimm.s32 $0x0;
	vm10 =	vgt.f32 v3, v1  }
0x2e: {  	v2 =	vsel vm10, $0xFFFFFFFF, v2;
	v1 =	vsel vm10, v3, v1  }
0x2f: {  	v3 =	vimm.s32 $0x0;
	[tilespmem:$0x1FEE0] =	vst v2;
	v2 =	vld [tilespmem:s11+$0x1080];
	vm10 =	vgt.f32 v4, v1  }
0x30: {  	v3 =	vsel vm10, $0xFFFFFFFF, v3;
	v1 =	vsel vm10, v4, v1  }
0x31: {  	v4 =	vimm.s32 $0x0;
	[tilespmem:$0x1FEF0] =	vst v3;
	v3 =	vld [tilespmem:s11+$0x1100];
	vm10 =	vgt.f32 v5, v1  }
0x32: {  	v4 =	vsel vm10, $0xFFFFFFFF, v4  }
0x33: {  	v1 =	vsel vm10, v5, v1;
	[tilespmem:$0x1FF00] =	vst v4;
	v4 =	vld [tilespmem:s11+$0x1180]  }
0x34: {  	v5 =	vimm.s32 $0x0;
	vm10 =	vgt.f32 v2, v1  }
0x35: {  	v5 =	vsel vm10, $0xFFFFFFFF, v5;
	v1 =	vsel vm10, v2, v1  }
0x36: {  	v2 =	vimm.s32 $0x0;
	[tilespmem:$0x1FF10] =	vst v5;
	v5 =	vld [tilespmem:s11+$0x1200];
	vm10 =	vgt.f32 v3, v1  }
0x37: {  	v2 =	vsel vm10, $0xFFFFFFFF, v2;
	v1 =	vsel vm10, v3, v1  }
0x38: {  	v3 =	vimm.s32 $0x0;
	[tilespmem:$0x1FF20] =	vst v2;
	v2 =	vld [tilespmem:s11+$0x1280];
	vm10 =	vgt.f32 v4, v1  }
0x39: {  	v3 =	vsel vm10, $0xFFFFFFFF, v3  }
0x3a: {  	v1 =	vsel vm10, v4, v1;
	[tilespmem:$0x1FF30] =	vst v3;
	v3 =	vld [tilespmem:s11+$0x1300]  }
0x3b: {  	v4 =	vimm.s32 $0x0;
	vm10 =	vgt.f32 v5, v1  }
0x3c: {  	v4 =	vsel vm10, $0xFFFFFFFF, v4;
	v1 =	vsel vm10, v5, v1  }
0x3d: {  	v5 =	vimm.s32 $0x0;
	[tilespmem:$0x1FF40] =	vst v4;
	v4 =	vld [tilespmem:s11+$0x1380];
	vm10 =	vgt.f32 v2, v1  }
0x3e: {  	v5 =	vsel vm10, $0xFFFFFFFF, v5;
	v1 =	vsel vm10, v2, v1  }
0x3f: {  	v2 =	vimm.s32 $0x0;
	[tilespmem:$0x1FF50] =	vst v5;
	v5 =	vld [tilespmem:s11+$0x1800];
	vm10 =	vgt.f32 v3, v1  }
0x40: {  	v2 =	vsel vm10, $0xFFFFFFFF, v2  }
0x41: {  	v1 =	vsel vm10, v3, v1;
	[tilespmem:$0x1FF60] =	vst v2;
	v2 =	vld [tilespmem:s11+$0x1880]  }
0x42: {  	v3 =	vimm.s32 $0x0;
	vm10 =	vgt.f32 v4, v1  }
0x43: {  	v3 =	vsel vm10, $0xFFFFFFFF, v3;
	v1 =	vsel vm10, v4, v1  }
0x44: {  	v4 =	vimm.s32 $0x0;
	[tilespmem:$0x1FF70] =	vst v3;
	v3 =	vld [tilespmem:s11+$0x1900];
	vm10 =	vgt.f32 v5, v1  }
0x45: {  	v4 =	vsel vm10, $0xFFFFFFFF, v4;
	v1 =	vsel vm10, v5, v1  }
0x46: {  	v5 =	vimm.s32 $0x0;
	[tilespmem:$0x1FF80] =	vst v4;
	v4 =	vld [tilespmem:s11+$0x1980];
	vm10 =	vgt.f32 v2, v1  }
0x47: {  	v5 =	vsel vm10, $0xFFFFFFFF, v5  }
0x48: {  	v1 =	vsel vm10, v2, v1;
	[tilespmem:$0x1FF90] =	vst v5;
	v5 =	vld [tilespmem:s11+$0x1A00]  }
0x49: {  	v2 =	vimm.s32 $0x0;
	vm10 =	vgt.f32 v3, v1  }
0x4a: {  	v2 =	vsel vm10, $0xFFFFFFFF, v2;
	v1 =	vsel vm10, v3, v1  }
0x4b: {  	v3 =	vimm.s32 $0x0;
	[tilespmem:$0x1FFA0] =	vst v2;
	v2 =	vld [tilespmem:s11+$0x1A80];
	vm10 =	vgt.f32 v4, v1  }
0x4c: {  	v3 =	vsel vm10, $0xFFFFFFFF, v3;
	v1 =	vsel vm10, v4, v1  }
0x4d: {  	v4 =	vimm.s32 $0x0;
	[tilespmem:$0x1FFB0] =	vst v3;
	v3 =	vld [tilespmem:s11+$0x1B00];
	vm10 =	vgt.f32 v5, v1  }
0x4e: {  	v4 =	vsel vm10, $0xFFFFFFFF, v4  }
0x4f: {  	v1 =	vsel vm10, v5, v1;
	[tilespmem:$0x1FFC0] =	vst v4;
	v4 =	vld [tilespmem:s11+$0x1B80]  }
0x50: {  	v5 =	vimm.s32 $0x0;
	vm10 =	vgt.f32 v2, v1  }
0x51: {  	v5 =	vsel vm10, $0xFFFFFFFF, v5;
	v1 =	vsel vm10, v2, v1  }
0x52: {  	v2 =	vimm.s32 $0x0;
	[tilespmem:$0x1FFD0] =	vst v5;
	v5 =	vld [tilespmem:s11+$0x2000];
	vm10 =	vgt.f32 v3, v1  }
0x53: {  	v2 =	vsel vm10, $0xFFFFFFFF, v2;
	v1 =	vsel vm10, v3, v1  }
0x54: {  	v3 =	vimm.s32 $0x0;
	[tilespmem:$0x1FFE0] =	vst v2;
	v2 =	vld [tilespmem:s11+$0x2080];
	vm10 =	vgt.f32 v4, v1  }
0x55: {  	v3 =	vsel vm10, $0xFFFFFFFF, v3  }
0x56: {  	v1 =	vsel vm10, v4, v1;
	[tilespmem:$0x1FFF0] =	vst v3;
	v3 =	vld [tilespmem:s11+$0x2100]  }
0x57: {  	vm14 =	vgt.f32 v5, v1  }
0x58: {  	v6 =	vld [tilespmem:s11+$0x2180];
	v1 =	vsel vm14, v5, v1  }
0x59: {  	vm13 =	vgt.f32 v2, v1  }
0x5a: {  	v5 =	vld [tilespmem:s11+$0x2200];
	v1 =	vsel vm13, v2, v1  }
0x5b: {  	vm12 =	vgt.f32 v3, v1  }
0x5c: {  	v1 =	vsel vm12, v3, v1  }
0x5d: {  	vm11 =	vgt.f32 v6, v1  }
0x5e: {  	v4 =	vsel vm0, $0x1, v0;
	v1 =	vsel vm11, v6, v1  }
0x5f: {  	v4 =	vsel vm1, $0x2, v4;
	vm10 =	vgt.f32 v5, v1  }
0x60: {  	v4 =	vsel vm2, $0x3, v4;
	v1 =	vsel vm10, v5, v1;
	v5 =	vld [tilespmem:$0x1FEB0]  }
0x61: {  	v4 =	vsel vm3, $0x4, v4  }
0x62: {  	v2 =	vsel vm4, $0x5, v4  }
0x63: {  	v2 =	vsel vm5, $0x6, v2  }
0x64: {  	v4 =	vld [tilespmem:s11+$0x2280];
	v2 =	vsel vm6, $0x7, v2  }
0x65: {  	v2 =	vsel vm7, $0x8, v2;
	vm7 =	vnez.u8 v5;
	v5 =	vld [tilespmem:$0x1FEC0]  }
0x66: {  	v3 =	vld [tilespmem:s11+$0x2300];
	_ =	sdelay $0x1  }
0x67: {  	v2 =	vsel vm8, $0x9, v2  }
0x68: {  	v2 =	vsel vm9, $0xA, v2;
	vm9 =	vgt.f32 v4, v1  }
0x69: {  	v1 =	vsel vm9, v4, v1;
	v4 =	vld [tilespmem:$0x1FED0];
	v2 =	vsel vm7, $0xB, v2;
	vm8 =	vnez.u8 v5  }
0x6a: {  	v2 =	vsel vm8, $0xC, v2;
	vm8 =	vgt.f32 v3, v1  }
0x6b: {  	v1 =	vsel vm8, v3, v1;
	v3 =	vld [tilespmem:$0x1FEF0];
	_ =	sdelay $0x2  }
0x6c: {  	vm15 =	vnez.u8 v4;
	v4 =	vld [tilespmem:$0x1FEE0]  }
0x6d: {  	v54 =	vld [tilespmem:s11+$0x2380]  }
0x6e: {  	vm5 =	vnez.u8 v3;
	v3 =	vld [tilespmem:$0x1FF00]  }
0x6f: {  	v5 =	vld [tilespmem:s11+$0x2800];
	_ =	sdelay $0x1  }
0x70: {  	v2 =	vsel vm15, $0xD, v2;
	vm4 =	vnez.u8 v4  }
0x71: {  	v2 =	vsel vm4, $0xE, v2;
	vm7 =	vgt.f32 v54, v1  }
0x72: {  	v55 =	vld [tilespmem:$0x1FF10];
	v1 =	vsel vm7, v54, v1;
	v2 =	vsel vm5, $0xF, v2;
	vm6 =	vnez.u8 v3  }
0x73: {  	v56 =	vld [tilespmem:$0x1FF20];
	v2 =	vsel vm6, $0x10, v2;
	vm6 =	vgt.f32 v5, v1  }
0x74: {  	v1 =	vsel vm6, v5, v1;
	v5 =	vld [tilespmem:$0x1FF30]  }
0x75: {  	v4 =	vld [tilespmem:s11+$0x2880];
	_ =	sdelay $0x1  }
0x76: {  	vm15 =	vnez.u8 v55  }
0x77: {  	vm4 =	vnez.u8 v56;
	v2 =	vsel vm15, $0x11, v2  }
0x78: {  	v2 =	vsel vm4, $0x12, v2;
	vm5 =	vnez.u8 v5  }
0x79: {  	v5 =	vld [tilespmem:$0x1FF40];
	v2 =	vsel vm5, $0x13, v2;
	vm5 =	vgt.f32 v4, v1  }
0x7a: {  	v1 =	vsel vm5, v4, v1;
	v4 =	vld [tilespmem:$0x1FF50]  }
0x7b: {  	v3 =	vld [tilespmem:s11+$0x2900];
	_ =	sdelay $0x2  }
0x7c: {  	vm15 =	vnez.u8 v5  }
0x7d: {  	v57 =	vld [tilespmem:s11+$0x2980];
	v2 =	vsel vm15, $0x14, v2;
	vm4 =	vnez.u8 v4  }
0x7e: {  	v4 =	vld [tilespmem:$0x1FF60];
	v2 =	vsel vm4, $0x15, v2;
	vm4 =	vgt.f32 v3, v1  }
0x7f: {  	v1 =	vsel vm4, v3, v1;
	v3 =	vld [tilespmem:$0x1FF70];
	_ =	sdelay $0x1  }
0x80: {  	v5 =	vld [tilespmem:s11+$0x2A00];
	_ =	sdelay $0x1  }
0x81: {  	v58 =	vld [tilespmem:$0x1FF90];
	vm15 =	vnez.u8 v4  }
0x82: {  	vm3 =	vgt.f32 v57, v1;
	v2 =	vsel vm15, $0x16, v2;
	vm15 =	vnez.u8 v3;
	v3 =	vld [tilespmem:$0x1FF80]  }
0x83: {  	v1 =	vsel vm3, v57, v1;
	v4 =	vld [tilespmem:s11+$0x2A80]  }
0x84: {  	v59 =	vld [tilespmem:$0x1FFA0];
	vm2 =	vgt.f32 v5, v1  }
0x85: {  	v1 =	vsel vm2, v5, v1;
	v5 =	vld [tilespmem:$0x1FFB0];
	_ =	sdelay $0x1  }
0x86: {  	v2 =	vsel vm15, $0x17, v2;
	vm15 =	vnez.u8 v3  }
0x87: {  	vm1 =	vgt.f32 v4, v1;
	v2 =	vsel vm15, $0x18, v2;
	vm15 =	vnez.u8 v58  }
0x88: {  	v1 =	vsel vm1, v4, v1;
	v4 =	vld [tilespmem:$0x1FFD0];
	v2 =	vsel vm15, $0x19, v2;
	vm15 =	vnez.u8 v59  }
0x89: {  	v2 =	vsel vm15, $0x1A, v2;
	vm15 =	vnez.u8 v5;
	v5 =	vld [tilespmem:$0x1FFC0]  }
0x8a: {  	v3 =	vld [tilespmem:s11+$0x2B00];
	_ =	sdelay $0x3  }
0x8b: {  	v2 =	vsel vm15, $0x1B, v2;
	vm15 =	vnez.u8 v5  }
0x8c: {  	vm0 =	vgt.f32 v3, v1;
	v2 =	vsel vm15, $0x1C, v2;
	vm15 =	vnez.u8 v4;
	v4 =	vld [tilespmem:$0x1FFE0]  }
0x8d: {  	v1 =	vsel vm0, v3, v1;
	v3 =	vld [tilespmem:$0x1FFF0]  }
0x8e: {  	v60 =	vld [tilespmem:s11+$0x2B80];
	_ =	sdelay $0x1  }
0x8f: {  	v5 =	vld [tilespmem:s11+$0x3000]  }
0x90: {  	v2 =	vsel vm15, $0x1D, v2;
	vm15 =	vnez.u8 v4  }
0x91: {  	v4 =	vld [tilespmem:s11+$0x3080];
	v2 =	vsel vm15, $0x1E, v2;
	vm15 =	vnez.u8 v3  }
0x92: {  	v2 =	vsel vm15, $0x1F, v2;
	vm15 =	vgt.f32 v60, v1  }
0x93: {  	v3 =	vld [tilespmem:s11+$0x3100];
	v2 =	vsel vm14, $0x20, v2;
	v1 =	vsel vm15, v60, v1  }
0x94: {  	v2 =	vsel vm13, $0x21, v2;
	vm13 =	vgt.f32 v5, v1  }
0x95: {  	v61 =	vld [tilespmem:s11+$0x3180];
	v2 =	vsel vm12, $0x22, v2;
	v1 =	vsel vm13, v5, v1  }
0x96: {  	v2 =	vsel vm11, $0x23, v2;
	vm11 =	vgt.f32 v4, v1  }
0x97: {  	v5 =	vld [tilespmem:s11+$0x3200];
	v2 =	vsel vm10, $0x24, v2;
	v1 =	vsel vm11, v4, v1  }
0x98: {  	v2 =	vsel vm9, $0x25, v2;
	vm9 =	vgt.f32 v3, v1  }
0x99: {  	v4 =	vld [tilespmem:s11+$0x3280];
	v2 =	vsel vm8, $0x26, v2;
	v1 =	vsel vm9, v3, v1  }
0x9a: {  	v2 =	vsel vm7, $0x27, v2;
	vm10 =	vgt.f32 v61, v1  }
0x9b: {  	v3 =	vld [tilespmem:s11+$0x3300];
	v2 =	vsel vm6, $0x28, v2;
	v1 =	vsel vm10, v61, v1  }
0x9c: {  	v2 =	vsel vm5, $0x29, v2;
	vm5 =	vgt.f32 v5, v1  }
0x9d: {  	v62 =	vld [tilespmem:s11+$0x3380];
	v2 =	vsel vm4, $0x2A, v2;
	v1 =	vsel vm5, v5, v1  }
0x9e: {  	v2 =	vsel vm3, $0x2B, v2;
	vm12 =	vgt.f32 v4, v1  }
0x9f: {  	v5 =	vld [tilespmem:s11+$0x3800];
	v2 =	vsel vm2, $0x2C, v2;
	v1 =	vsel vm12, v4, v1  }
0xa0: {  	v2 =	vsel vm1, $0x2D, v2;
	vm14 =	vgt.f32 v3, v1  }
0xa1: {  	v4 =	vld [tilespmem:s11+$0x3880];
	v2 =	vsel vm0, $0x2E, v2;
	v1 =	vsel vm14, v3, v1  }
0xa2: {  	v2 =	vsel vm15, $0x2F, v2;
	vm15 =	vgt.f32 v62, v1  }
0xa3: {  	v3 =	vld [tilespmem:s11+$0x3900];
	v2 =	vsel vm13, $0x30, v2;
	v1 =	vsel vm15, v62, v1  }
0xa4: {  	v2 =	vsel vm11, $0x31, v2;
	vm8 =	vgt.f32 v5, v1  }
0xa5: {  	v63 =	vld [tilespmem:s11+$0x3980];
	v2 =	vsel vm9, $0x32, v2;
	v1 =	vsel vm8, v5, v1  }
0xa6: {  	v2 =	vsel vm10, $0x33, v2;
	vm10 =	vgt.f32 v4, v1  }
0xa7: {  	v5 =	vld [tilespmem:s11+$0x3A00];
	v2 =	vsel vm5, $0x34, v2;
	v1 =	vsel vm10, v4, v1  }
0xa8: {  	v2 =	vsel vm12, $0x35, v2;
	vm11 =	vgt.f32 v3, v1  }
0xa9: {  	v4 =	vld [tilespmem:s11+$0x3A80];
	v2 =	vsel vm14, $0x36, v2;
	v1 =	vsel vm11, v3, v1  }
0xaa: {  	v2 =	vsel vm15, $0x37, v2;
	vm12 =	vgt.f32 v63, v1  }
0xab: {  	v3 =	vld [tilespmem:s11+$0x3B00];
	v2 =	vsel vm8, $0x38, v2;
	v1 =	vsel vm12, v63, v1  }
0xac: {  	v2 =	vsel vm10, $0x39, v2;
	vm13 =	vgt.f32 v5, v1  }
0xad: {  	v2 =	vsel vm11, $0x3A, v2;
	v1 =	vsel vm13, v5, v1  }
0xae: {  	v2 =	vsel vm12, $0x3B, v2;
	vm14 =	vgt.f32 v4, v1  }
0xaf: {  	v2 =	vsel vm13, $0x3C, v2;
	v1 =	vsel vm14, v4, v1  }
0xb0: {  	s31 =	simm.s32 $0x10;
	s16 =	simm.s32 $0x20;
	s14 =	simm.s32 $0x80;
	v2 =	vsel vm14, $0x3D, v2;
	vm15 =	vgt.f32 v3, v1  }
0xb1: {  	s13 =	simm.s32 $0x4000;
	s12 =	sand.u32 $0x70, s31;
	v3 =	vsel vm15, v3, v1;
	v2 =	vsel vm15, $0x3E, v2;
	v1 =	vld [tilespmem:s11+$0x3B80];
	s11 =	simm.s32 $0x4010  }
.LBB2_2:
0xb2: {  	_ =	sdelay $0x3  }
0xb3: {  	vm0 =	vgt.f32 v1, v3  }
0xb4: {  	s18 =	sand.u32 $0x400, s14;
	v1 =	vsel vm0, $0x3F, v2  }
0xb5: {  	s31 =	sor.u32 s12, s18;
	[tilespmem:s13+$0x0] =	vst v1  }
0xb6: {  	v1 =	vld [tilespmem:s31+$0x80]  }
0xb7: {  	v2 =	vld [tilespmem:s31+$0x0];
	_ =	sdelay $0x1  }
0xb8: {  	v3 =	vld [tilespmem:s31+$0x100];
	_ =	sdelay $0x1  }
0xb9: {  	v4 =	vld [tilespmem:s31+$0x180]  }
0xba: {  	vm15 =	vgt.f32 v1, v2  }
0xbb: {  	v5 =	vld [tilespmem:s31+$0x200];
	v1 =	vsel vm15, v1, v2  }
0xbc: {  	vm1 =	vgt.f32 v3, v1  }
0xbd: {  	v2 =	vld [tilespmem:s31+$0x280];
	v1 =	vsel vm1, v3, v1  }
0xbe: {  	vm2 =	vgt.f32 v4, v1  }
0xbf: {  	v3 =	vld [tilespmem:s31+$0x300];
	v1 =	vsel vm2, v4, v1  }
0xc0: {  	vm3 =	vgt.f32 v5, v1  }
0xc1: {  	v4 =	vld [tilespmem:s31+$0x380];
	v1 =	vsel vm3, v5, v1  }
0xc2: {  	vm4 =	vgt.f32 v2, v1  }
0xc3: {  	v5 =	vld [tilespmem:s31+$0x800];
	v1 =	vsel vm4, v2, v1  }
0xc4: {  	vm5 =	vgt.f32 v3, v1  }
0xc5: {  	v2 =	vld [tilespmem:s31+$0x880];
	v1 =	vsel vm5, v3, v1  }
0xc6: {  	vm6 =	vgt.f32 v4, v1  }
0xc7: {  	v3 =	vld [tilespmem:s31+$0x900];
	v1 =	vsel vm6, v4, v1  }
0xc8: {  	vm7 =	vgt.f32 v5, v1  }
0xc9: {  	v4 =	vld [tilespmem:s31+$0x980];
	v1 =	vsel vm7, v5, v1  }
0xca: {  	vm8 =	vgt.f32 v2, v1  }
0xcb: {  	v5 =	vld [tilespmem:s31+$0xA00];
	v1 =	vsel vm8, v2, v1  }
0xcc: {  	vm9 =	vgt.f32 v3, v1  }
0xcd: {  	v2 =	vld [tilespmem:s31+$0xA80];
	v1 =	vsel vm9, v3, v1  }
0xce: {  	v3 =	vimm.s32 $0x0;
	vm10 =	vgt.f32 v4, v1  }
0xcf: {  	v3 =	vsel vm10, $0xFFFFFFFF, v3;
	v1 =	vsel vm10, v4, v1  }
0xd0: {  	v4 =	vimm.s32 $0x0;
	[tilespmem:$0x1FD60] =	vst v3;
	v3 =	vld [tilespmem:s31+$0xB00];
	vm10 =	vgt.f32 v5, v1  }
0xd1: {  	v4 =	vsel vm10, $0xFFFFFFFF, v4;
	v1 =	vsel vm10, v5, v1  }
0xd2: {  	v5 =	vimm.s32 $0x0;
	[tilespmem:$0x1FD70] =	vst v4;
	v4 =	vld [tilespmem:s31+$0xB80];
	vm10 =	vgt.f32 v2, v1  }
0xd3: {  	v5 =	vsel vm10, $0xFFFFFFFF, v5  }
0xd4: {  	v1 =	vsel vm10, v2, v1;
	[tilespmem:$0x1FD80] =	vst v5;
	v5 =	vld [tilespmem:s31+$0x1000]  }
0xd5: {  	v2 =	vimm.s32 $0x0;
	vm10 =	vgt.f32 v3, v1  }
0xd6: {  	v2 =	vsel vm10, $0xFFFFFFFF, v2;
	v1 =	vsel vm10, v3, v1  }
0xd7: {  	v3 =	vimm.s32 $0x0;
	[tilespmem:$0x1FD90] =	vst v2;
	v2 =	vld [tilespmem:s31+$0x1080];
	vm10 =	vgt.f32 v4, v1  }
0xd8: {  	v3 =	vsel vm10, $0xFFFFFFFF, v3;
	v1 =	vsel vm10, v4, v1  }
0xd9: {  	v4 =	vimm.s32 $0x0;
	[tilespmem:$0x1FDA0] =	vst v3;
	v3 =	vld [tilespmem:s31+$0x1100];
	vm10 =	vgt.f32 v5, v1  }
0xda: {  	v4 =	vsel vm10, $0xFFFFFFFF, v4  }
0xdb: {  	v1 =	vsel vm10, v5, v1;
	[tilespmem:$0x1FDB0] =	vst v4;
	v4 =	vld [tilespmem:s31+$0x1180]  }
0xdc: {  	v5 =	vimm.s32 $0x0;
	vm10 =	vgt.f32 v2, v1  }
0xdd: {  	v5 =	vsel vm10, $0xFFFFFFFF, v5;
	v1 =	vsel vm10, v2, v1  }
0xde: {  	v2 =	vimm.s32 $0x0;
	[tilespmem:$0x1FDC0] =	vst v5;
	v5 =	vld [tilespmem:s31+$0x1200];
	vm10 =	vgt.f32 v3, v1  }
0xdf: {  	v2 =	vsel vm10, $0xFFFFFFFF, v2;
	v1 =	vsel vm10, v3, v1  }
0xe0: {  	v3 =	vimm.s32 $0x0;
	[tilespmem:$0x1FDD0] =	vst v2;
	v2 =	vld [tilespmem:s31+$0x1280];
	vm10 =	vgt.f32 v4, v1  }
0xe1: {  	v3 =	vsel vm10, $0xFFFFFFFF, v3  }
0xe2: {  	v1 =	vsel vm10, v4, v1;
	[tilespmem:$0x1FDE0] =	vst v3;
	v3 =	vld [tilespmem:s31+$0x1300]  }
0xe3: {  	v4 =	vimm.s32 $0x0;
	vm10 =	vgt.f32 v5, v1  }
0xe4: {  	v4 =	vsel vm10, $0xFFFFFFFF, v4;
	v1 =	vsel vm10, v5, v1  }
0xe5: {  	v5 =	vimm.s32 $0x0;
	[tilespmem:$0x1FDF0] =	vst v4;
	v4 =	vld [tilespmem:s31+$0x1380];
	vm10 =	vgt.f32 v2, v1  }
0xe6: {  	v5 =	vsel vm10, $0xFFFFFFFF, v5;
	v1 =	vsel vm10, v2, v1  }
0xe7: {  	v2 =	vimm.s32 $0x0;
	[tilespmem:$0x1FE00] =	vst v5;
	v5 =	vld [tilespmem:s31+$0x1800];
	vm10 =	vgt.f32 v3, v1  }
0xe8: {  	v2 =	vsel vm10, $0xFFFFFFFF, v2  }
0xe9: {  	v1 =	vsel vm10, v3, v1;
	[tilespmem:$0x1FE10] =	vst v2;
	v2 =	vld [tilespmem:s31+$0x1880]  }
0xea: {  	v3 =	vimm.s32 $0x0;
	vm10 =	vgt.f32 v4, v1  }
0xeb: {  	v3 =	vsel vm10, $0xFFFFFFFF, v3;
	v1 =	vsel vm10, v4, v1  }
0xec: {  	v4 =	vimm.s32 $0x0;
	[tilespmem:$0x1FE20] =	vst v3;
	v3 =	vld [tilespmem:s31+$0x1900];
	vm10 =	vgt.f32 v5, v1  }
0xed: {  	v4 =	vsel vm10, $0xFFFFFFFF, v4;
	v1 =	vsel vm10, v5, v1  }
0xee: {  	v5 =	vimm.s32 $0x0;
	[tilespmem:$0x1FE30] =	vst v4;
	v4 =	vld [tilespmem:s31+$0x1980];
	vm10 =	vgt.f32 v2, v1  }
0xef: {  	v5 =	vsel vm10, $0xFFFFFFFF, v5  }
0xf0: {  	v1 =	vsel vm10, v2, v1;
	[tilespmem:$0x1FE40] =	vst v5;
	v5 =	vld [tilespmem:s31+$0x1A00]  }
0xf1: {  	v2 =	vimm.s32 $0x0;
	vm10 =	vgt.f32 v3, v1  }
0xf2: {  	v2 =	vsel vm10, $0xFFFFFFFF, v2;
	v1 =	vsel vm10, v3, v1  }
0xf3: {  	v3 =	vimm.s32 $0x0;
	[tilespmem:$0x1FE50] =	vst v2;
	v2 =	vld [tilespmem:s31+$0x1A80];
	vm10 =	vgt.f32 v4, v1  }
0xf4: {  	v3 =	vsel vm10, $0xFFFFFFFF, v3;
	v1 =	vsel vm10, v4, v1  }
0xf5: {  	v4 =	vimm.s32 $0x0;
	[tilespmem:$0x1FE60] =	vst v3;
	v3 =	vld [tilespmem:s31+$0x1B00];
	vm10 =	vgt.f32 v5, v1  }
0xf6: {  	v4 =	vsel vm10, $0xFFFFFFFF, v4  }
0xf7: {  	v1 =	vsel vm10, v5, v1;
	[tilespmem:$0x1FE70] =	vst v4;
	v4 =	vld [tilespmem:s31+$0x1B80]  }
0xf8: {  	v5 =	vimm.s32 $0x0;
	vm10 =	vgt.f32 v2, v1  }
0xf9: {  	v5 =	vsel vm10, $0xFFFFFFFF, v5;
	v1 =	vsel vm10, v2, v1  }
0xfa: {  	v2 =	vimm.s32 $0x0;
	[tilespmem:$0x1FE80] =	vst v5;
	v5 =	vld [tilespmem:s31+$0x2000];
	vm10 =	vgt.f32 v3, v1  }
0xfb: {  	v2 =	vsel vm10, $0xFFFFFFFF, v2;
	v1 =	vsel vm10, v3, v1  }
0xfc: {  	v3 =	vimm.s32 $0x0;
	[tilespmem:$0x1FE90] =	vst v2;
	v2 =	vld [tilespmem:s31+$0x2080];
	vm10 =	vgt.f32 v4, v1  }
0xfd: {  	v3 =	vsel vm10, $0xFFFFFFFF, v3  }
0xfe: {  	v1 =	vsel vm10, v4, v1;
	[tilespmem:$0x1FEA0] =	vst v3;
	v3 =	vld [tilespmem:s31+$0x2100]  }
0xff: {  	vm14 =	vgt.f32 v5, v1  }
0x100: {  	v6 =	vld [tilespmem:s31+$0x2180];
	v1 =	vsel vm14, v5, v1  }
0x101: {  	vm13 =	vgt.f32 v2, v1  }
0x102: {  	v5 =	vld [tilespmem:s31+$0x2200];
	v1 =	vsel vm13, v2, v1  }
0x103: {  	v4 =	vsel vm15, $0x1, v0;
	vm12 =	vgt.f32 v3, v1  }
0x104: {  	v4 =	vsel vm1, $0x2, v4;
	v1 =	vsel vm12, v3, v1  }
0x105: {  	v4 =	vsel vm2, $0x3, v4;
	vm11 =	vgt.f32 v6, v1  }
0x106: {  	v4 =	vsel vm3, $0x4, v4;
	v1 =	vsel vm11, v6, v1  }
0x107: {  	v2 =	vsel vm4, $0x5, v4;
	v4 =	vld [tilespmem:s31+$0x2280];
	vm10 =	vgt.f32 v5, v1  }
0x108: {  	v1 =	vsel vm10, v5, v1;
	v5 =	vld [tilespmem:$0x1FD60]  }
0x109: {  	v7 =	vld [tilespmem:$0x1FD70];
	v2 =	vsel vm5, $0x6, v2  }
0x10a: {  	v2 =	vsel vm6, $0x7, v2;
	v3 =	vld [tilespmem:s31+$0x2300]  }
0x10b: {  	v2 =	vsel vm7, $0x8, v2  }
0x10c: {  	v2 =	vsel vm8, $0x9, v2  }
0x10d: {  	v47 =	vld [tilespmem:s31+$0x2380];
	v2 =	vsel vm9, $0xA, v2;
	vm9 =	vgt.f32 v4, v1;
	vm7 =	vnez.u8 v5  }
0x10e: {  	vm8 =	vnez.u8 v7;
	v1 =	vsel vm9, v4, v1;
	v4 =	vld [tilespmem:$0x1FD80];
	v2 =	vsel vm7, $0xB, v2  }
0x10f: {  	v48 =	vld [tilespmem:$0x1FD90];
	v2 =	vsel vm8, $0xC, v2;
	vm8 =	vgt.f32 v3, v1  }
0x110: {  	v1 =	vsel vm8, v3, v1;
	v3 =	vld [tilespmem:$0x1FDA0]  }
0x111: {  	v49 =	vld [tilespmem:$0x1FDB0]  }
0x112: {  	v5 =	vld [tilespmem:s31+$0x2800]  }
0x113: {  	vm15 =	vnez.u8 v4  }
0x114: {  	vm4 =	vnez.u8 v48;
	v2 =	vsel vm15, $0xD, v2  }
0x115: {  	v2 =	vsel vm4, $0xE, v2;
	vm7 =	vgt.f32 v47, v1;
	vm5 =	vnez.u8 v3  }
0x116: {  	v50 =	vld [tilespmem:$0x1FDC0];
	vm6 =	vnez.u8 v49;
	v1 =	vsel vm7, v47, v1;
	v2 =	vsel vm5, $0xF, v2  }
0x117: {  	v52 =	vld [tilespmem:$0x1FDD0];
	v2 =	vsel vm6, $0x10, v2;
	vm6 =	vgt.f32 v5, v1  }
0x118: {  	v1 =	vsel vm6, v5, v1;
	v5 =	vld [tilespmem:$0x1FDE0]  }
0x119: {  	v4 =	vld [tilespmem:s31+$0x2880];
	_ =	sdelay $0x1  }
0x11a: {  	vm15 =	vnez.u8 v50  }
0x11b: {  	vm4 =	vnez.u8 v52;
	v2 =	vsel vm15, $0x11, v2  }
0x11c: {  	v2 =	vsel vm4, $0x12, v2;
	vm5 =	vnez.u8 v5  }
0x11d: {  	v53 =	vld [tilespmem:$0x1FDF0];
	v2 =	vsel vm5, $0x13, v2;
	vm5 =	vgt.f32 v4, v1  }
0x11e: {  	v1 =	vsel vm5, v4, v1;
	v4 =	vld [tilespmem:$0x1FE00]  }
0x11f: {  	v3 =	vld [tilespmem:s31+$0x2900];
	_ =	sdelay $0x2  }
0x120: {  	vm15 =	vnez.u8 v53  }
0x121: {  	v51 =	vld [tilespmem:s31+$0x2980];
	v2 =	vsel vm15, $0x14, v2;
	vm4 =	vnez.u8 v4  }
0x122: {  	v54 =	vld [tilespmem:$0x1FE10];
	v2 =	vsel vm4, $0x15, v2;
	vm4 =	vgt.f32 v3, v1  }
0x123: {  	v1 =	vsel vm4, v3, v1;
	v3 =	vld [tilespmem:$0x1FE20]  }
0x124: {  	v5 =	vld [tilespmem:s31+$0x2A00]  }
0x125: {  	v55 =	vld [tilespmem:$0x1FE30]  }
0x126: {  	v4 =	vld [tilespmem:s31+$0x2A80]  }
0x127: {  	v56 =	vld [tilespmem:$0x1FE40];
	vm15 =	vnez.u8 v54;
	vm3 =	vgt.f32 v51, v1  }
0x128: {  	v2 =	vsel vm15, $0x16, v2;
	v1 =	vsel vm3, v51, v1;
	vm15 =	vnez.u8 v3;
	v3 =	vld [tilespmem:s31+$0x2B00]  }
0x129: {  	v58 =	vld [tilespmem:$0x1FE50];
	vm2 =	vgt.f32 v5, v1  }
0x12a: {  	v1 =	vsel vm2, v5, v1;
	v5 =	vld [tilespmem:$0x1FE60]  }
0x12b: {  	v59 =	vld [tilespmem:$0x1FE70];
	vm1 =	vgt.f32 v4, v1  }
0x12c: {  	v2 =	vsel vm15, $0x17, v2;
	vm15 =	vnez.u8 v55;
	v1 =	vsel vm1, v4, v1;
	v4 =	vld [tilespmem:$0x1FE80]  }
0x12d: {  	v60 =	vld [tilespmem:$0x1FE90];
	v2 =	vsel vm15, $0x18, v2;
	vm15 =	vnez.u8 v56;
	vm0 =	vgt.f32 v3, v1  }
0x12e: {  	v2 =	vsel vm15, $0x19, v2;
	vm15 =	vnez.u8 v58;
	v1 =	vsel vm0, v3, v1;
	v3 =	vld [tilespmem:$0x1FEA0]  }
0x12f: {  	v57 =	vld [tilespmem:s31+$0x2B80];
	v2 =	vsel vm15, $0x1A, v2;
	vm15 =	vnez.u8 v5  }
0x130: {  	v2 =	vsel vm15, $0x1B, v2;
	vm15 =	vnez.u8 v59  }
0x131: {  	v5 =	vld [tilespmem:s31+$0x3000];
	v2 =	vsel vm15, $0x1C, v2;
	vm15 =	vnez.u8 v4  }
0x132: {  	v2 =	vsel vm15, $0x1D, v2;
	vm15 =	vnez.u8 v60  }
0x133: {  	v4 =	vld [tilespmem:s31+$0x3080];
	v2 =	vsel vm15, $0x1E, v2;
	vm15 =	vnez.u8 v3  }
0x134: {  	v2 =	vsel vm15, $0x1F, v2;
	vm15 =	vgt.f32 v57, v1  }
0x135: {  	v3 =	vld [tilespmem:s31+$0x3100];
	v2 =	vsel vm14, $0x20, v2;
	v1 =	vsel vm15, v57, v1  }
0x136: {  	v2 =	vsel vm13, $0x21, v2;
	vm13 =	vgt.f32 v5, v1  }
0x137: {  	v61 =	vld [tilespmem:s31+$0x3180];
	v2 =	vsel vm12, $0x22, v2;
	v1 =	vsel vm13, v5, v1  }
0x138: {  	v2 =	vsel vm11, $0x23, v2;
	vm11 =	vgt.f32 v4, v1  }
0x139: {  	v5 =	vld [tilespmem:s31+$0x3200];
	v2 =	vsel vm10, $0x24, v2;
	v1 =	vsel vm11, v4, v1  }
0x13a: {  	v2 =	vsel vm9, $0x25, v2;
	vm9 =	vgt.f32 v3, v1  }
0x13b: {  	v4 =	vld [tilespmem:s31+$0x3280];
	v2 =	vsel vm8, $0x26, v2;
	v1 =	vsel vm9, v3, v1  }
0x13c: {  	v2 =	vsel vm7, $0x27, v2;
	vm10 =	vgt.f32 v61, v1  }
0x13d: {  	v3 =	vld [tilespmem:s31+$0x3300];
	v2 =	vsel vm6, $0x28, v2;
	v1 =	vsel vm10, v61, v1  }
0x13e: {  	v2 =	vsel vm5, $0x29, v2;
	vm5 =	vgt.f32 v5, v1  }
0x13f: {  	v62 =	vld [tilespmem:s31+$0x3380];
	v2 =	vsel vm4, $0x2A, v2;
	v1 =	vsel vm5, v5, v1  }
0x140: {  	v2 =	vsel vm3, $0x2B, v2;
	vm12 =	vgt.f32 v4, v1  }
0x141: {  	v5 =	vld [tilespmem:s31+$0x3800];
	v2 =	vsel vm2, $0x2C, v2;
	v1 =	vsel vm12, v4, v1  }
0x142: {  	v2 =	vsel vm1, $0x2D, v2;
	vm14 =	vgt.f32 v3, v1  }
0x143: {  	v4 =	vld [tilespmem:s31+$0x3880];
	v2 =	vsel vm0, $0x2E, v2;
	v1 =	vsel vm14, v3, v1  }
0x144: {  	v2 =	vsel vm15, $0x2F, v2;
	vm15 =	vgt.f32 v62, v1  }
0x145: {  	v3 =	vld [tilespmem:s31+$0x3900];
	v2 =	vsel vm13, $0x30, v2;
	v1 =	vsel vm15, v62, v1  }
0x146: {  	v2 =	vsel vm11, $0x31, v2;
	vm8 =	vgt.f32 v5, v1  }
0x147: {  	v63 =	vld [tilespmem:s31+$0x3980];
	v2 =	vsel vm9, $0x32, v2;
	v1 =	vsel vm8, v5, v1  }
0x148: {  	v2 =	vsel vm10, $0x33, v2;
	vm10 =	vgt.f32 v4, v1  }
0x149: {  	v5 =	vld [tilespmem:s31+$0x3A00];
	v2 =	vsel vm5, $0x34, v2;
	v1 =	vsel vm10, v4, v1  }
0x14a: {  	v2 =	vsel vm12, $0x35, v2;
	vm11 =	vgt.f32 v3, v1  }
0x14b: {  	v4 =	vld [tilespmem:s31+$0x3A80];
	v2 =	vsel vm14, $0x36, v2;
	v1 =	vsel vm11, v3, v1  }
0x14c: {  	v2 =	vsel vm15, $0x37, v2;
	vm12 =	vgt.f32 v63, v1  }
0x14d: {  	v3 =	vld [tilespmem:s31+$0x3B00];
	v2 =	vsel vm8, $0x38, v2;
	v6 =	vsel vm12, v63, v1  }
0x14e: {  	p0 =	sne.s32 s16, $0xF0;
	v2 =	vsel vm10, $0x39, v2;
	vm13 =	vgt.f32 v5, v6  }
.Ltmp0:
0x14f: {  	v2 =	vsel vm11, $0x3A, v2;
	v5 =	vsel vm13, v5, v6;
	(pc) =	sbr.rel @p0 .LBB2_2-.Ltmp0, $4  }
0x150: {  	v2 =	vsel vm12, $0x3B, v2;
	vm14 =	vgt.f32 v4, v5  }
0x151: {  	s17 =	sand.u32 $0x70, s16;
	s15 =	smov.u32 s16;
	v2 =	vsel vm13, $0x3C, v2;
	v4 =	vsel vm14, v4, v5  }
0x152: {  	s14 =	sadd.s32 $0x80, s14;
	s15 =	sadd.s32 $0x10, s16;
	s12 =	smov.u32 s17;
	v2 =	vsel vm14, $0x3D, v2;
	vm15 =	vgt.f32 v3, v4  }
0x153: {  	s16 =	smov.u32 s15;
	s13 =	smov.u32 s11;
	s11 =	sadd.s32 $0x10, s11;
	v1 =	vld [tilespmem:s31+$0x3B80];
	v3 =	vsel vm15, v3, v4;
	v2 =	vsel vm15, $0x3E, v2  }
0x154: {  	_ =	sdelay $0x3  }
0x155: {  	vm0 =	vgt.f32 v1, v3  }
0x156: {  	s14 =	sand.u32 $0x400, s14;
	v1 =	vsel vm0, $0x3F, v2  }
0x157: {  	s12 =	sor.u32 s12, s14;
	[tilespmem:s13+$0x0] =	vst v1  }
0x158: {  	v1 =	vld [tilespmem:s12+$0x80]  }
0x159: {  	v2 =	vld [tilespmem:s12+$0x0];
	_ =	sdelay $0x1  }
0x15a: {  	v3 =	vld [tilespmem:s12+$0x100];
	_ =	sdelay $0x1  }
0x15b: {  	v4 =	vld [tilespmem:s12+$0x180]  }
0x15c: {  	vm15 =	vgt.f32 v1, v2  }
0x15d: {  	v5 =	vld [tilespmem:s12+$0x200];
	v1 =	vsel vm15, v1, v2  }
0x15e: {  	vm1 =	vgt.f32 v3, v1  }
0x15f: {  	v2 =	vld [tilespmem:s12+$0x280];
	v1 =	vsel vm1, v3, v1  }
0x160: {  	vm2 =	vgt.f32 v4, v1  }
0x161: {  	v3 =	vld [tilespmem:s12+$0x300];
	v1 =	vsel vm2, v4, v1  }
0x162: {  	vm3 =	vgt.f32 v5, v1  }
0x163: {  	v57 =	vld [tilespmem:s12+$0x380];
	v1 =	vsel vm3, v5, v1  }
0x164: {  	vm4 =	vgt.f32 v2, v1  }
0x165: {  	v58 =	vld [tilespmem:s12+$0x800];
	v1 =	vsel vm4, v2, v1  }
0x166: {  	vm5 =	vgt.f32 v3, v1  }
0x167: {  	v2 =	vld [tilespmem:s12+$0x880];
	v1 =	vsel vm5, v3, v1  }
0x168: {  	vm6 =	vgt.f32 v57, v1  }
0x169: {  	v3 =	vld [tilespmem:s12+$0x900];
	v1 =	vsel vm6, v57, v1  }
0x16a: {  	vm7 =	vgt.f32 v58, v1  }
0x16b: {  	v59 =	vld [tilespmem:s12+$0x980];
	v1 =	vsel vm7, v58, v1  }
0x16c: {  	vm8 =	vgt.f32 v2, v1  }
0x16d: {  	v1 =	vsel vm8, v2, v1  }
0x16e: {  	v60 =	vld [tilespmem:s12+$0xA00];
	vm9 =	vgt.f32 v3, v1  }
0x16f: {  	v1 =	vsel vm9, v3, v1  }
0x170: {  	v2 =	vld [tilespmem:s12+$0xA80];
	v3 =	vimm.s32 $0x0;
	vm10 =	vgt.f32 v59, v1  }
0x171: {  	v3 =	vsel vm10, $0xFFFFFFFF, v3  }
0x172: {  	v1 =	vsel vm10, v59, v1;
	[tilespmem:$0x1FC00] =	vst v3;
	v3 =	vld [tilespmem:s12+$0xB00]  }
0x173: {  	vm10 =	vgt.f32 v60, v1  }
0x174: {  	v61 =	vimm.s32 $0x0;
	v62 =	vld [tilespmem:s12+$0xB80];
	v1 =	vsel vm10, v60, v1  }
0x175: {  	v4 =	vsel vm10, $0xFFFFFFFF, v61;
	vm10 =	vgt.f32 v2, v1  }
0x176: {  	v63 =	vimm.s32 $0x0;
	v1 =	vsel vm10, v2, v1  }
0x177: {  	v8 =	vld [tilespmem:s12+$0x1000];
	v5 =	vsel vm10, $0xFFFFFFFF, v63;
	v2 =	vimm.s32 $0x0;
	vm10 =	vgt.f32 v3, v1  }
0x178: {  	v2 =	vsel vm10, $0xFFFFFFFF, v2;
	v1 =	vsel vm10, v3, v1  }
0x179: {  	v3 =	vimm.s32 $0x0;
	[tilespmem:$0x1FC30] =	vst v2;
	v2 =	vld [tilespmem:s12+$0x1080];
	vm10 =	vgt.f32 v62, v1  }
0x17a: {  	v3 =	vsel vm10, $0xFFFFFFFF, v3  }
0x17b: {  	v1 =	vsel vm10, v62, v1;
	[tilespmem:$0x1FC40] =	vst v3;
	v3 =	vld [tilespmem:s12+$0x1100]  }
0x17c: {  	vm10 =	vgt.f32 v8, v1  }
0x17d: {  	v9 =	vimm.s32 $0x0;
	v10 =	vld [tilespmem:s12+$0x1180];
	v1 =	vsel vm10, v8, v1  }
0x17e: {  	[tilespmem:$0x1FC10] =	vst v4;
	v4 =	vsel vm10, $0xFFFFFFFF, v9;
	vm10 =	vgt.f32 v2, v1  }
0x17f: {  	v11 =	vimm.s32 $0x0;
	v1 =	vsel vm10, v2, v1  }
0x180: {  	v12 =	vld [tilespmem:s12+$0x1200];
	[tilespmem:$0x1FC20] =	vst v5;
	v5 =	vsel vm10, $0xFFFFFFFF, v11;
	v2 =	vimm.s32 $0x0;
	vm10 =	vgt.f32 v3, v1  }
0x181: {  	v2 =	vsel vm10, $0xFFFFFFFF, v2;
	v1 =	vsel vm10, v3, v1  }
0x182: {  	v3 =	vimm.s32 $0x0;
	[tilespmem:$0x1FC70] =	vst v2;
	v2 =	vld [tilespmem:s12+$0x1280];
	vm10 =	vgt.f32 v10, v1  }
0x183: {  	v3 =	vsel vm10, $0xFFFFFFFF, v3  }
0x184: {  	v1 =	vsel vm10, v10, v1;
	[tilespmem:$0x1FC80] =	vst v3;
	v3 =	vld [tilespmem:s12+$0x1300]  }
0x185: {  	vm10 =	vgt.f32 v12, v1  }
0x186: {  	v13 =	vimm.s32 $0x0;
	v14 =	vld [tilespmem:s12+$0x1380];
	v1 =	vsel vm10, v12, v1  }
0x187: {  	[tilespmem:$0x1FC50] =	vst v4;
	v4 =	vsel vm10, $0xFFFFFFFF, v13;
	vm10 =	vgt.f32 v2, v1  }
0x188: {  	v15 =	vimm.s32 $0x0;
	v1 =	vsel vm10, v2, v1  }
0x189: {  	v16 =	vld [tilespmem:s12+$0x1800];
	[tilespmem:$0x1FC60] =	vst v5;
	v5 =	vsel vm10, $0xFFFFFFFF, v15;
	v2 =	vimm.s32 $0x0;
	vm10 =	vgt.f32 v3, v1  }
0x18a: {  	v2 =	vsel vm10, $0xFFFFFFFF, v2;
	v1 =	vsel vm10, v3, v1  }
0x18b: {  	v3 =	vimm.s32 $0x0;
	[tilespmem:$0x1FCB0] =	vst v2;
	v2 =	vld [tilespmem:s12+$0x1880];
	vm10 =	vgt.f32 v14, v1  }
0x18c: {  	v3 =	vsel vm10, $0xFFFFFFFF, v3  }
0x18d: {  	v1 =	vsel vm10, v14, v1;
	[tilespmem:$0x1FCC0] =	vst v3;
	v3 =	vld [tilespmem:s12+$0x1900]  }
0x18e: {  	vm10 =	vgt.f32 v16, v1  }
0x18f: {  	v17 =	vimm.s32 $0x0;
	v18 =	vld [tilespmem:s12+$0x1980];
	v1 =	vsel vm10, v16, v1  }
0x190: {  	[tilespmem:$0x1FC90] =	vst v4;
	v4 =	vsel vm10, $0xFFFFFFFF, v17;
	vm10 =	vgt.f32 v2, v1  }
0x191: {  	v19 =	vimm.s32 $0x0;
	v1 =	vsel vm10, v2, v1  }
0x192: {  	v20 =	vld [tilespmem:s12+$0x1A00];
	[tilespmem:$0x1FCA0] =	vst v5;
	v5 =	vsel vm10, $0xFFFFFFFF, v19;
	v2 =	vimm.s32 $0x0;
	vm10 =	vgt.f32 v3, v1  }
0x193: {  	v2 =	vsel vm10, $0xFFFFFFFF, v2;
	v1 =	vsel vm10, v3, v1  }
0x194: {  	v3 =	vimm.s32 $0x0;
	[tilespmem:$0x1FCF0] =	vst v2;
	v2 =	vld [tilespmem:s12+$0x1A80];
	vm10 =	vgt.f32 v18, v1  }
0x195: {  	v3 =	vsel vm10, $0xFFFFFFFF, v3  }
0x196: {  	v1 =	vsel vm10, v18, v1;
	[tilespmem:$0x1FD00] =	vst v3;
	v3 =	vld [tilespmem:s12+$0x1B00]  }
0x197: {  	vm10 =	vgt.f32 v20, v1  }
0x198: {  	v21 =	vimm.s32 $0x0;
	v22 =	vld [tilespmem:s12+$0x1B80];
	v1 =	vsel vm10, v20, v1  }
0x199: {  	[tilespmem:$0x1FCD0] =	vst v4;
	v4 =	vsel vm10, $0xFFFFFFFF, v21;
	vm10 =	vgt.f32 v2, v1  }
0x19a: {  	v23 =	vimm.s32 $0x0;
	v1 =	vsel vm10, v2, v1  }
0x19b: {  	v24 =	vld [tilespmem:s12+$0x2000];
	[tilespmem:$0x1FCE0] =	vst v5;
	v5 =	vsel vm10, $0xFFFFFFFF, v23;
	v2 =	vimm.s32 $0x0;
	vm10 =	vgt.f32 v3, v1  }
0x19c: {  	v2 =	vsel vm10, $0xFFFFFFFF, v2;
	v1 =	vsel vm10, v3, v1  }
0x19d: {  	v3 =	vimm.s32 $0x0;
	[tilespmem:$0x1FD30] =	vst v2;
	v2 =	vld [tilespmem:s12+$0x2080];
	vm10 =	vgt.f32 v22, v1  }
0x19e: {  	v3 =	vsel vm10, $0xFFFFFFFF, v3  }
0x19f: {  	v1 =	vsel vm10, v22, v1;
	[tilespmem:$0x1FD40] =	vst v3;
	v3 =	vld [tilespmem:s12+$0x2100]  }
0x1a0: {  	vm10 =	vgt.f32 v24, v1  }
0x1a1: {  	v6 =	vld [tilespmem:s12+$0x2180];
	v1 =	vsel vm10, v24, v1  }
0x1a2: {  	v25 =	vimm.s32 $0x0;
	vm14 =	vgt.f32 v2, v1  }
0x1a3: {  	v27 =	vld [tilespmem:s12+$0x2200];
	v26 =	vsel vm15, $0x1, v0;
	[tilespmem:$0x1FD10] =	vst v4;
	v4 =	vsel vm10, $0xFFFFFFFF, v25;
	v1 =	vsel vm14, v2, v1  }
0x1a4: {  	[tilespmem:$0x1FD50] =	vst v4;
	v4 =	vsel vm1, $0x2, v26;
	vm13 =	vgt.f32 v3, v1  }
0x1a5: {  	v28 =	vld [tilespmem:s12+$0x2280];
	v4 =	vsel vm2, $0x3, v4;
	v1 =	vsel vm13, v3, v1  }
0x1a6: {  	v2 =	vsel vm3, $0x4, v4;
	vm12 =	vgt.f32 v6, v1  }
0x1a7: {  	v2 =	vsel vm4, $0x5, v2;
	v3 =	vld [tilespmem:s12+$0x2300];
	v1 =	vsel vm12, v6, v1  }
0x1a8: {  	v2 =	vsel vm5, $0x6, v2;
	vm11 =	vgt.f32 v27, v1  }
0x1a9: {  	v2 =	vsel vm6, $0x7, v2;
	v1 =	vsel vm11, v27, v1  }
0x1aa: {  	v2 =	vsel vm7, $0x8, v2;
	vm10 =	vgt.f32 v28, v1  }
0x1ab: {  	v29 =	vld [tilespmem:s12+$0x2380];
	v2 =	vsel vm8, $0x9, v2;
	v1 =	vsel vm10, v28, v1  }
0x1ac: {  	v31 =	vld [tilespmem:s12+$0x2800];
	v2 =	vsel vm9, $0xA, v2;
	vm9 =	vgt.f32 v3, v1  }
0x1ad: {  	v1 =	vsel vm9, v3, v1;
	v3 =	vld [tilespmem:$0x1FC30]  }
0x1ae: {  	v30 =	vld [tilespmem:$0x1FC00]  }
0x1af: {  	v32 =	vld [tilespmem:$0x1FC10]  }
0x1b0: {  	v33 =	vld [tilespmem:$0x1FC20]  }
0x1b1: {  	v34 =	vld [tilespmem:s12+$0x2880]  }
0x1b2: {  	vm15 =	vnez.u8 v3;
	v3 =	vld [tilespmem:$0x1FC40]  }
0x1b3: {  	v35 =	vld [tilespmem:$0x1FC50];
	vm6 =	vnez.u8 v30  }
0x1b4: {  	v36 =	vld [tilespmem:$0x1FC60];
	vm7 =	vnez.u8 v32;
	v2 =	vsel vm6, $0xB, v2  }
0x1b5: {  	v38 =	vld [tilespmem:$0x1FC70];
	vm8 =	vnez.u8 v33;
	v2 =	vsel vm7, $0xC, v2  }
0x1b6: {  	v39 =	vld [tilespmem:$0x1FC80];
	v2 =	vsel vm8, $0xD, v2  }
0x1b7: {  	v41 =	vld [tilespmem:$0x1FC90];
	vm8 =	vgt.f32 v29, v1;
	v2 =	vsel vm15, $0xE, v2;
	vm4 =	vnez.u8 v3  }
0x1b8: {  	vm5 =	vnez.u8 v35;
	v1 =	vsel vm8, v29, v1;
	v3 =	vld [tilespmem:s12+$0x2900];
	v2 =	vsel vm4, $0xF, v2  }
0x1b9: {  	vm6 =	vnez.u8 v36;
	vm7 =	vgt.f32 v31, v1;
	v2 =	vsel vm5, $0x10, v2  }
0x1ba: {  	v1 =	vsel vm7, v31, v1;
	vm15 =	vnez.u8 v38;
	v2 =	vsel vm6, $0x11, v2  }
0x1bb: {  	vm4 =	vnez.u8 v39;
	vm6 =	vgt.f32 v34, v1;
	v2 =	vsel vm15, $0x12, v2  }
0x1bc: {  	vm5 =	vnez.u8 v41;
	v1 =	vsel vm6, v34, v1;
	v2 =	vsel vm4, $0x13, v2  }
0x1bd: {  	v2 =	vsel vm5, $0x14, v2;
	vm5 =	vgt.f32 v3, v1  }
0x1be: {  	v1 =	vsel vm5, v3, v1;
	v3 =	vld [tilespmem:$0x1FCB0];
	_ =	sdelay $0x1  }
0x1bf: {  	v42 =	vld [tilespmem:$0x1FCA0];
	_ =	sdelay $0x1  }
0x1c0: {  	v37 =	vld [tilespmem:s12+$0x2980]  }
0x1c1: {  	vm4 =	vnez.u8 v3;
	v3 =	vld [tilespmem:$0x1FCC0]  }
0x1c2: {  	v40 =	vld [tilespmem:s12+$0x2A00]  }
0x1c3: {  	vm15 =	vnez.u8 v42  }
0x1c4: {  	v43 =	vld [tilespmem:s12+$0x2A80];
	v2 =	vsel vm15, $0x15, v2  }
0x1c5: {  	v44 =	vld [tilespmem:$0x1FCD0];
	v2 =	vsel vm4, $0x16, v2;
	vm4 =	vgt.f32 v37, v1  }
0x1c6: {  	v1 =	vsel vm4, v37, v1;
	vm15 =	vnez.u8 v3;
	v3 =	vld [tilespmem:s12+$0x2B00]  }
0x1c7: {  	v45 =	vld [tilespmem:$0x1FCE0];
	vm3 =	vgt.f32 v40, v1  }
0x1c8: {  	v47 =	vld [tilespmem:$0x1FCF0];
	v1 =	vsel vm3, v40, v1  }
0x1c9: {  	v48 =	vld [tilespmem:$0x1FD00];
	vm2 =	vgt.f32 v43, v1  }
0x1ca: {  	v50 =	vld [tilespmem:$0x1FD10];
	[tilespmem:$0x1FD20] =	vst v5;
	v1 =	vsel vm2, v43, v1  }
0x1cb: {  	v51 =	vld [tilespmem:$0x1FD20];
	v2 =	vsel vm15, $0x17, v2;
	vm15 =	vnez.u8 v44;
	vm1 =	vgt.f32 v3, v1  }
0x1cc: {  	v2 =	vsel vm15, $0x18, v2;
	vm15 =	vnez.u8 v45;
	v1 =	vsel vm1, v3, v1;
	v3 =	vld [tilespmem:$0x1FD30]  }
0x1cd: {  	v2 =	vsel vm15, $0x19, v2;
	vm15 =	vnez.u8 v47  }
0x1ce: {  	v2 =	vsel vm15, $0x1A, v2;
	vm15 =	vnez.u8 v48  }
0x1cf: {  	v2 =	vsel vm15, $0x1B, v2;
	vm15 =	vnez.u8 v50  }
0x1d0: {  	v46 =	vld [tilespmem:s12+$0x2B80];
	v2 =	vsel vm15, $0x1C, v2;
	vm15 =	vnez.u8 v51  }
0x1d1: {  	v2 =	vsel vm15, $0x1D, v2;
	vm15 =	vnez.u8 v3;
	v3 =	vld [tilespmem:$0x1FD40]  }
0x1d2: {  	v53 =	vld [tilespmem:$0x1FD50]  }
0x1d3: {  	v49 =	vld [tilespmem:s12+$0x3000];
	_ =	sdelay $0x1  }
0x1d4: {  	v52 =	vld [tilespmem:s12+$0x3080]  }
0x1d5: {  	vm0 =	vgt.f32 v46, v1;
	v2 =	vsel vm15, $0x1E, v2;
	vm15 =	vnez.u8 v3  }
0x1d6: {  	v1 =	vsel vm0, v46, v1;
	v3 =	vld [tilespmem:s12+$0x3100];
	v2 =	vsel vm15, $0x1F, v2;
	vm15 =	vnez.u8 v53  }
0x1d7: {  	v2 =	vsel vm15, $0x20, v2;
	vm15 =	vgt.f32 v49, v1  }
0x1d8: {  	v54 =	vld [tilespmem:s12+$0x3180];
	v2 =	vsel vm14, $0x21, v2;
	v1 =	vsel vm15, v49, v1  }
0x1d9: {  	v2 =	vsel vm13, $0x22, v2;
	vm13 =	vgt.f32 v52, v1  }
0x1da: {  	v55 =	vld [tilespmem:s12+$0x3200];
	v2 =	vsel vm12, $0x23, v2;
	v1 =	vsel vm13, v52, v1  }
0x1db: {  	v2 =	vsel vm11, $0x24, v2;
	vm11 =	vgt.f32 v3, v1  }
0x1dc: {  	v56 =	vld [tilespmem:s12+$0x3280];
	v2 =	vsel vm10, $0x25, v2;
	v1 =	vsel vm11, v3, v1  }
0x1dd: {  	v2 =	vsel vm9, $0x26, v2;
	vm9 =	vgt.f32 v54, v1  }
0x1de: {  	v3 =	vld [tilespmem:s12+$0x3300];
	v2 =	vsel vm8, $0x27, v2;
	v1 =	vsel vm9, v54, v1  }
0x1df: {  	v2 =	vsel vm7, $0x28, v2;
	vm10 =	vgt.f32 v55, v1  }
0x1e0: {  	v57 =	vld [tilespmem:s12+$0x3380];
	v2 =	vsel vm6, $0x29, v2;
	v1 =	vsel vm10, v55, v1  }
0x1e1: {  	v2 =	vsel vm5, $0x2A, v2;
	vm5 =	vgt.f32 v56, v1  }
0x1e2: {  	v58 =	vld [tilespmem:s12+$0x3800];
	v2 =	vsel vm4, $0x2B, v2;
	v1 =	vsel vm5, v56, v1  }
0x1e3: {  	v2 =	vsel vm3, $0x2C, v2;
	vm12 =	vgt.f32 v3, v1  }
0x1e4: {  	v59 =	vld [tilespmem:s12+$0x3880];
	v2 =	vsel vm2, $0x2D, v2;
	v1 =	vsel vm12, v3, v1  }
0x1e5: {  	v2 =	vsel vm1, $0x2E, v2;
	vm14 =	vgt.f32 v57, v1  }
0x1e6: {  	v3 =	vld [tilespmem:s12+$0x3900];
	v2 =	vsel vm0, $0x2F, v2;
	v1 =	vsel vm14, v57, v1  }
0x1e7: {  	v2 =	vsel vm15, $0x30, v2;
	vm15 =	vgt.f32 v58, v1  }
0x1e8: {  	v60 =	vld [tilespmem:s12+$0x3980];
	v2 =	vsel vm13, $0x31, v2;
	v1 =	vsel vm15, v58, v1  }
0x1e9: {  	v2 =	vsel vm11, $0x32, v2;
	vm8 =	vgt.f32 v59, v1  }
0x1ea: {  	v61 =	vld [tilespmem:s12+$0x3A00];
	v2 =	vsel vm9, $0x33, v2;
	v1 =	vsel vm8, v59, v1  }
0x1eb: {  	v2 =	vsel vm10, $0x34, v2;
	vm10 =	vgt.f32 v3, v1  }
0x1ec: {  	v62 =	vld [tilespmem:s12+$0x3A80];
	v2 =	vsel vm5, $0x35, v2;
	v1 =	vsel vm10, v3, v1  }
0x1ed: {  	v2 =	vsel vm12, $0x36, v2;
	vm11 =	vgt.f32 v60, v1  }
0x1ee: {  	v3 =	vld [tilespmem:s12+$0x3B00];
	v2 =	vsel vm14, $0x37, v2;
	v1 =	vsel vm11, v60, v1  }
0x1ef: {  	v2 =	vsel vm15, $0x38, v2;
	vm12 =	vgt.f32 v61, v1  }
0x1f0: {  	v63 =	vld [tilespmem:s12+$0x3B80];
	v2 =	vsel vm8, $0x39, v2;
	v1 =	vsel vm12, v61, v1  }
0x1f1: {  	v2 =	vsel vm10, $0x3A, v2;
	vm13 =	vgt.f32 v62, v1  }
0x1f2: {  	v2 =	vsel vm11, $0x3B, v2;
	v1 =	vsel vm13, v62, v1  }
0x1f3: {  	v2 =	vsel vm12, $0x3C, v2;
	vm14 =	vgt.f32 v3, v1  }
0x1f4: {  	v2 =	vsel vm13, $0x3D, v2;
	v1 =	vsel vm14, v3, v1  }
0x1f5: {  	s10 =	sadd.s32 $0x1, s10;
	v2 =	vsel vm14, $0x3E, v2;
	vm15 =	vgt.f32 v63, v1  }
0x1f6: {  	p0 =	sne.s32 s10, s5;
	v1 =	vsel vm15, $0x3F, v2  }
.Ltmp1:
0x1f7: {  	[tilespmem:s11+$0x0] =	vst v1;
	(pc) =	sbr.rel @p0 .LBB2_1-.Ltmp1, $4  }
0x1f8: {  	[hbm4b:s4+s2] =	stream.linear.scatter [tilespmem:s9], [sflag:$0x1], $0x100, $0x38;
	[tilespmem:$0x4100] =	vst v63  }
0x1f9: {  	_ =	swait.ge [sflag:s8], $0x100  }
0x1fa: {  	[sflag:s8] =	ssyncset.done $0x0  }
0x1fb: {  	[sflag:s8] =	ssyncadd.s32 $0xFFFFFF00  }
0x1fc: {  	_ =	sfence.sel $0x180000  }
0x1fd: {  	[bflag:$0x0] =	sbarrier.arrive $0xFFFF  }
0x1fe: {  	p0 =	sne.s32 s1, $0x0;
	_ =	strace $0x90000047  }
0x1ff: {  	s0 =	sadd.s32 @!p0 $0x100000, s0;
	[bflag:$0x2] =	sbarrier.arrive $0xFFFF  }
0x200: {  	[sflag:s0] =	ssyncadd.tile.s32 @!p0 $0x1;
	_ =	shalt  }
.Lfunc_end2:
_tile_overlayer_lowered:
.L_overlay_start_2:
0x201: {  	(tag) =	ssettag $0x2  }
0x202: {  	s0 =	rddreg [dreg:$0x0];
	s2 =	stileid.u32  }
0x203: {  	s1 =	rddreg [dreg:$0x1];
	p0 =	sne.s32 s2, $0x0  }
0x204: {  	s3 =	rddreg [dreg:$0x2];
	[bflag:$0x3] =	sbarrier.arrive $0xFFFF;
	s2 =	simm.s32 @!p0 $0x1C01  }
0x205: {  	[timem:s3], [sflag:s2] =	dma.local @!p0 [hbm:s0], s1  }
0x206: {  	s0 =	simm.s32 @!p0 $0x1  }
0x207: {  	_ =	swait.ge @!p0 [sflag:s0], s1  }
0x208: {  	s1 =	ssub.s32 @!p0 $0x0, s1;
	[sflag:s0] =	ssyncset.done @!p0 $0x0  }
0x209: {  	[sflag:s0] =	ssyncadd.s32 @!p0 s1  }
0x20a: {  	[bflag:$0x3] =	sbarrier.arrive $0xFFFF  }
0x20b: {  	_ =	shalt  }

</sc_bundles>
